<compile_context>
chip_gen: v7x
topology: tpu7x:2x2x1
jax: 0.10.2.dev20260603
libtpu: 0.0.44.dev20260713+nightly
codegen_flags: <defaults>
</compile_context>

<pallas_src>
import functools

import jax
import jax.numpy as jnp
from jax import lax
from jax.experimental import pallas as pl
from jax.experimental.pallas import tpu as pltpu
from jax.experimental.pallas import tpu_sc as plsc

N = 100000
CIN = 32
COUT = 32
KV = 27
BASE = 130

NC = 2
NS = 16
L = 16
NW = NC * NS
RPW = 3200
NPAD = NW * RPW
CHUNK = 128
NCH = RPW // CHUNK
VPC = CHUNK // L
STEPS = 17
ZROW = N
SENTINEL = 2**31 - 1

_mesh = plsc.VectorSubcoreMesh(
    core_axis_name="c", subcore_axis_name="s", num_cores=NC, num_subcores=NS)

_SC_PARAMS = pltpu.CompilerParams(
    use_tc_tiling_on_sc=False, needs_layout_passes=False)


def _worker_id():
    return lax.axis_index("s") * NC + lax.axis_index("c")


@functools.partial(
    pl.kernel,
    out_type=jax.ShapeDtypeStruct((NPAD, CIN), jnp.bfloat16),
    mesh=_mesh,
    scratch_types=[
        pltpu.VMEM((CHUNK,), jnp.int32),
        pltpu.VMEM((CHUNK, CIN), jnp.bfloat16),
        pltpu.SemaphoreType.DMA,
    ],
    compiler_params=_SC_PARAMS,
)
def _permute(featsz_hbm, orderp_hbm, sfeats_hbm, idx_v, rows_v, sem):
    base = _worker_id() * RPW

    def body(j, carry):
        off = base + j * CHUNK
        pltpu.sync_copy(orderp_hbm.at[pl.ds(off, CHUNK)], idx_v)
        pltpu.async_copy(featsz_hbm.at[idx_v], rows_v, sem).wait()
        pltpu.sync_copy(rows_v, sfeats_hbm.at[pl.ds(off, CHUNK)])
        return carry

    lax.fori_loop(0, NCH, body, 0)


@functools.partial(
    pl.kernel,
    out_type=jax.ShapeDtypeStruct((KV, NPAD, CIN), jnp.bfloat16),
    mesh=_mesh,
    scratch_types=[
        pltpu.VMEM((NPAD,), jnp.int32),
        pltpu.VMEM((CHUNK,), jnp.int32),
        pltpu.VMEM((CHUNK,), jnp.int32),
        pltpu.VMEM((CHUNK, CIN), jnp.bfloat16),
        pltpu.VMEM((CHUNK, CIN), jnp.bfloat16),
        pltpu.SemaphoreType.DMA,
        pltpu.SemaphoreType.DMA,
    ],
    compiler_params=_SC_PARAMS,
)
def _lookup(skeys_hbm, keysp_hbm, sfeats_hbm, zeros_hbm, g_hbm,
            skeys_v, qk_v, idx_v, rows_v, zrows_v, gsem, wsem):
    base = _worker_id() * RPW
    pltpu.sync_copy(skeys_hbm, skeys_v)
    pltpu.sync_copy(zeros_hbm, zrows_v)

    def chunk_body(c, carry):
        off = base + c * CHUNK
        pltpu.sync_copy(keysp_hbm.at[pl.ds(off, CHUNK)], qk_v)

        def k_body(k, kcarry):
            kx = lax.rem(k, 3)
            ky = lax.rem(lax.div(k, 3), 3)
            kz = lax.div(k, 9)
            delta = (kx - 1) * (BASE * BASE) + (ky - 1) * BASE + (kz - 1)

            qs = [qk_v[pl.ds(v * L, L)] + delta for v in range(VPC)]

            def search_step(_, st):
                los, his = st
                nlos, nhis = [], []
                for v in range(VPC):
                    mid = (los[v] + his[v]) >> 1
                    sk = plsc.load_gather(skeys_v, [mid])
                    lt = sk < qs[v]
                    nlos.append(jnp.where(lt, mid + 1, los[v]))
                    nhis.append(jnp.where(lt, his[v], mid))
                return tuple(nlos), tuple(nhis)

            los, _ = lax.fori_loop(
                0, STEPS, search_step,
                (tuple(jnp.zeros((L,), jnp.int32) for _ in range(VPC)),
                 tuple(jnp.full((L,), NPAD, jnp.int32) for _ in range(VPC))))
            mor = None
            for v in range(VPC):
                pos = jnp.minimum(los[v], N - 1)
                skp = plsc.load_gather(skeys_v, [pos])
                match = skp == qs[v]
                mor = match if mor is None else (mor | match)
                idx_v[pl.ds(v * L, L)] = jnp.where(match, pos, ZROW)
            anym = jnp.any(mor)

            gslice = g_hbm.at[k, pl.ds(off, CHUNK)]

            def _matched(n):
                def drain(i, d):
                    pltpu.make_async_copy(zeros_hbm, rows_v, wsem).wait()
                    return d
                lax.fori_loop(0, n, drain, 0)
                pltpu.async_copy(sfeats_hbm.at[idx_v], rows_v, gsem).wait()
                pltpu.async_copy(rows_v, gslice, wsem)
                return jnp.int32(1)

            def _unmatched(n):
                pltpu.async_copy(zrows_v, gslice, wsem)
                return n + 1

            return lax.cond(anym, _matched, _unmatched, kcarry)

        return lax.fori_loop(0, KV, k_body, carry)

    pending = lax.fori_loop(0, NCH, chunk_body, jnp.int32(0))

    def final_drain(i, d):
        pltpu.make_async_copy(zeros_hbm, rows_v, wsem).wait()
        return d

    lax.fori_loop(0, pending, final_drain, 0)


_BN = 2048


def _matmul_body(g_ref, w_ref, b_ref, out_ref):
    k = pl.program_id(1)

    @pl.when(k == 0)
    def _init():
        out_ref[...] = jnp.broadcast_to(b_ref[...], out_ref.shape)

    out_ref[...] += jnp.dot(g_ref[0].astype(jnp.float32), w_ref[0],
                            preferred_element_type=jnp.float32)


def _matmul(g, weight, bias2d):
    return pl.pallas_call(
        _matmul_body,
        grid=(NPAD // _BN, KV),
        in_specs=[
            pl.BlockSpec((1, _BN, CIN), lambda i, k: (k, i, 0)),
            pl.BlockSpec((1, CIN, COUT), lambda i, k: (k, 0, 0)),
            pl.BlockSpec((1, COUT), lambda i, k: (0, 0)),
        ],
        out_specs=pl.BlockSpec((_BN, COUT), lambda i, k: (i, 0)),
        out_shape=jax.ShapeDtypeStruct((NPAD, COUT), jnp.float32),
        compiler_params=pltpu.CompilerParams(
            dimension_semantics=("parallel", "arbitrary")),
    )(g, weight, bias2d)


def kernel(feats, coords, weight, bias):
    shifted = coords.astype(jnp.int32) + 1
    keys = ((shifted[:, 0] * BASE + shifted[:, 1]) * BASE
            + shifted[:, 2]) * BASE + shifted[:, 3]
    order = jnp.argsort(keys).astype(jnp.int32)
    skeys = keys[order]

    pad = NPAD - N
    skeys_pad = jnp.concatenate(
        [skeys, jnp.full((pad,), SENTINEL, jnp.int32)])
    keys_pad = jnp.concatenate([keys, jnp.zeros((pad,), jnp.int32)])
    orderp = jnp.concatenate([order, jnp.full((pad,), N, jnp.int32)])
    featsz = jnp.concatenate(
        [feats.astype(jnp.bfloat16),
         jnp.zeros((8, CIN), jnp.bfloat16)], axis=0)

    sfeats = _permute(featsz, orderp)
    zeros_blk = jnp.zeros((CHUNK, CIN), jnp.bfloat16)
    g = _lookup(skeys_pad, keys_pad, sfeats, zeros_blk)
    out = _matmul(g, weight, bias.reshape(1, COUT))
    return out[:N]

# --- scband reference (transcript-rebuilt; emitter-appended) ---
"""Pipeline reference for scband-sparse-conv3d-10239202034089 (READ-ONLY COPY).

The authoritative reference and input builder live on the scoring server;
editing this copy changes nothing except your own understanding.
"""

import jax, jax.numpy as jnp
import numpy as np

N = 100000
CIN = 32
COUT = 32
KV = 27
GRID = 126
BASE = 130


def _offsets():
    offs = []
    for z in range(3):
        for y in range(3):
            for x in range(3):
                offs.append([0, x - 1, y - 1, z - 1])
    return np.array(offs, dtype=np.int64)


def setup_inputs(seed: int = 0) -> dict:
    key = jax.random.key(seed)
    k1, k2, k3, k4 = jax.random.split(key, 4)
    feats = jax.random.normal(k1, (N, CIN), dtype=jnp.float32)
    coords = jax.random.randint(k2, (N, 4), 0, GRID, dtype=jnp.int32)
    fan_in = CIN * COUT  # torch _calculate_fan_in_and_fan_out on (KV, CIN, COUT)
    gain = np.sqrt(2.0 / (1.0 + 5.0))  # kaiming_uniform with a=sqrt(5)
    wb = gain * np.sqrt(3.0 / fan_in)
    weight = jax.random.uniform(k3, (KV, CIN, COUT), dtype=jnp.float32, minval=-wb, maxval=wb)
    bb = 1.0 / np.sqrt(fan_in)
    bias = jax.random.uniform(k4, (COUT,), dtype=jnp.float32, minval=-bb, maxval=bb)
    return {"feats": feats, "coords": coords, "weight": weight, "bias": bias}


def _encode(c):
    # unique integer key per (b, x, y, z); values shifted so offsets of +-1 stay non-negative
    return ((c[:, 0] * BASE + c[:, 1]) * BASE + c[:, 2]) * BASE + c[:, 3]


def reference(feats, coords, weight, bias):
    n = feats.shape[0]
    offs = jnp.asarray(_offsets())  # [27, 4]
    shifted = coords.astype(jnp.int64) + 1
    keys = _encode(shifted)
    order = jnp.argsort(keys)          # hash-table insert equivalent
    skeys = keys[order]
    out = jnp.zeros((n, COUT), dtype=feats.dtype)
    for i in range(KV):
        tgt = shifted + offs[i][None, :]
        tkeys = _encode(tgt)
        pos = jnp.searchsorted(skeys, tkeys)       # hash-table query
        pos_c = jnp.clip(pos, 0, n - 1)
        match = skeys[pos_c] == tkeys
        nbr = jnp.where(match, order[pos_c], 0)
        gathered = feats[nbr] * match[:, None].astype(feats.dtype)
        out = out + gathered @ weight[i]           # masked index_add_ at same row positions
    out = out + bias
    return out

if __name__ == "__main__":
    import jax
    _d = setup_inputs()
    print(jax.jit(kernel)(*tuple(_d.values())))

</pallas_src>

<mosaic_0001>
#map = affine_map<(d0, d1) -> (0)>
#map1 = affine_map<(d0, d1) -> (0, 0)>
#map2 = affine_map<(d0, d1) -> (0, 0, 0)>
module attributes {stable_mosaic.version = 14 : i64} {
  func.func @_lookup(%arg0: i32, %arg1: i32, %arg2: memref<102400xi32, #tpu.memory_space<hbm>>, %arg3: memref<102400xi32, #tpu.memory_space<hbm>>, %arg4: memref<102400x32xbf16, #tpu.memory_space<hbm>>, %arg5: memref<128x32xbf16, #tpu.memory_space<hbm>>, %arg6: memref<27x102400x32xbf16, #tpu.memory_space<hbm>>, %arg7: memref<102400xi32, #tpu.memory_space<vmem>>, %arg8: memref<128xi32, #tpu.memory_space<vmem>>, %arg9: memref<128xi32, #tpu.memory_space<vmem>>, %arg10: memref<128x32xbf16, #tpu.memory_space<vmem>>, %arg11: memref<128x32xbf16, #tpu.memory_space<vmem>>, %arg12: memref<!tpu.dma_semaphore, #tpu.memory_space<semaphore_mem>>, %arg13: memref<!tpu.dma_semaphore, #tpu.memory_space<semaphore_mem>>) attributes {dimension_semantics = [#tpu.dimension_semantics<core_parallel>, #tpu.dimension_semantics<subcore_parallel>], iteration_bounds = array<i64: 2, 16>, scalar_prefetch = 0 : i64, scratch_operands = 7 : i64, tpu.core_type = #tpu.core_type<sc_vector_subcore>, window_params = [{transform_indices = #map}, {transform_indices = #map}, {transform_indices = #map1}, {transform_indices = #map1}, {transform_indices = #map2}]} {
    %mul3A = arith.constant 2 : i32
    %mul3A_0 = arith.muli %arg1, %mul3A : i32
    %add3A = arith.addi %mul3A_0, %arg0 : i32
    %mul3A_1 = arith.constant 3200 : i32
    %mul3A_2 = arith.muli %add3A, %mul3A_1 : i32
    "tpu.region"() ({
      %run_scoped3A = tpu.sem_alloc : memref<!tpu.dma_semaphore, #tpu.memory_space<semaphore_mem>>
      tpu.enqueue_dma source(%arg2 : memref<102400xi32, #tpu.memory_space<hbm>>) target(%arg7 : memref<102400xi32, #tpu.memory_space<vmem>>) target_semaphore(%run_scoped3A : memref<!tpu.dma_semaphore, #tpu.memory_space<semaphore_mem>>)
      tpu.wait_dma2 semaphore(%run_scoped3A : memref<!tpu.dma_semaphore, #tpu.memory_space<semaphore_mem>>) src(%arg2 : memref<102400xi32, #tpu.memory_space<hbm>>) dst(%arg7 : memref<102400xi32, #tpu.memory_space<vmem>>)
      tpu.yield
    }) : () -> ()
    "tpu.region"() ({
      %run_scoped3A = tpu.sem_alloc : memref<!tpu.dma_semaphore, #tpu.memory_space<semaphore_mem>>
      tpu.enqueue_dma source(%arg5 : memref<128x32xbf16, #tpu.memory_space<hbm>>) target(%arg11 : memref<128x32xbf16, #tpu.memory_space<vmem>>) target_semaphore(%run_scoped3A : memref<!tpu.dma_semaphore, #tpu.memory_space<semaphore_mem>>)
      tpu.wait_dma2 semaphore(%run_scoped3A : memref<!tpu.dma_semaphore, #tpu.memory_space<semaphore_mem>>) src(%arg5 : memref<128x32xbf16, #tpu.memory_space<hbm>>) dst(%arg11 : memref<128x32xbf16, #tpu.memory_space<vmem>>)
      tpu.yield
    }) : () -> ()
    %scan3A = arith.constant 0 : i32
    %scan3A_3 = arith.constant 0 : i32
    %scan3A_4 = arith.constant 25 : i32
    %scan3A_5 = arith.addi %scan3A_3, %scan3A_4 : i32
    %scan3A_6 = arith.constant 1 : i32
    %scan3A_7 = scf.for %scan3A_18 = %scan3A_3 to %scan3A_5 step %scan3A_6 iter_args(%scan3A_19 = %scan3A) -> (i32)  : i32 {
      %mul3A_20 = arith.constant 128 : i32
      %mul3A_21 = arith.muli %scan3A_18, %mul3A_20 : i32
      %add3A_22 = arith.addi %mul3A_2, %mul3A_21 : i32
      "tpu.region"() ({
        %run_scoped3A = tpu.sem_alloc : memref<!tpu.dma_semaphore, #tpu.memory_space<semaphore_mem>>
        %dma_start3A = tpu.memref_slice %arg3[%add3A_22] : memref<102400xi32, #tpu.memory_space<hbm>> -> memref<128xi32, #tpu.memory_space<hbm>>
        %dma_start3A_29 = tpu.memref_slice %arg3[%add3A_22] : memref<102400xi32, #tpu.memory_space<hbm>> -> memref<128xi32, #tpu.memory_space<hbm>>
        tpu.enqueue_dma source(%dma_start3A_29 : memref<128xi32, #tpu.memory_space<hbm>>) target(%arg8 : memref<128xi32, #tpu.memory_space<vmem>>) target_semaphore(%run_scoped3A : memref<!tpu.dma_semaphore, #tpu.memory_space<semaphore_mem>>)
        %dma_wait3A = tpu.memref_slice %arg3[%add3A_22] : memref<102400xi32, #tpu.memory_space<hbm>> -> memref<128xi32, #tpu.memory_space<hbm>>
        %dma_wait3A_30 = tpu.memref_slice %arg3[%add3A_22] : memref<102400xi32, #tpu.memory_space<hbm>> -> memref<128xi32, #tpu.memory_space<hbm>>
        tpu.wait_dma2 semaphore(%run_scoped3A : memref<!tpu.dma_semaphore, #tpu.memory_space<semaphore_mem>>) src(%dma_wait3A_30 : memref<128xi32, #tpu.memory_space<hbm>>) dst(%arg8 : memref<128xi32, #tpu.memory_space<vmem>>)
        tpu.yield
      }) : () -> ()
      %scan3A_23 = arith.constant 0 : i32
      %scan3A_24 = arith.constant 27 : i32
      %scan3A_25 = arith.addi %scan3A_23, %scan3A_24 : i32
      %scan3A_26 = arith.constant 1 : i32
      %scan3A_27 = scf.for %scan3A_29 = %scan3A_23 to %scan3A_25 step %scan3A_26 iter_args(%scan3A_30 = %scan3A_19) -> (i32)  : i32 {
        %rem3A = arith.constant 3 : i32
        %rem3A_31 = arith.remsi %scan3A_29, %rem3A : i32
        %div3A = arith.constant 3 : i32
        %div3A_32 = arith.divsi %scan3A_29, %div3A : i32
        %rem3A_33 = arith.constant 3 : i32
        %rem3A_34 = arith.remsi %div3A_32, %rem3A_33 : i32
        %div3A_35 = arith.constant 9 : i32
        %div3A_36 = arith.divsi %scan3A_29, %div3A_35 : i32
        %sub3A = arith.constant 1 : i32
        %sub3A_37 = arith.subi %rem3A_31, %sub3A : i32
        %mul3A_38 = arith.constant 16900 : i32
        %mul3A_39 = arith.muli %sub3A_37, %mul3A_38 : i32
        %sub3A_40 = arith.constant 1 : i32
        %sub3A_41 = arith.subi %rem3A_34, %sub3A_40 : i32
        %mul3A_42 = arith.constant 130 : i32
        %mul3A_43 = arith.muli %sub3A_41, %mul3A_42 : i32
        %add3A_44 = arith.addi %mul3A_39, %mul3A_43 : i32
        %sub3A_45 = arith.constant 1 : i32
        %sub3A_46 = arith.subi %div3A_36, %sub3A_45 : i32
        %add3A_47 = arith.addi %add3A_44, %sub3A_46 : i32
        %get3A = arith.constant 0 : index
        %get3A_48 = tpu.vector_load %arg8[%get3A] {strides = array<i32>} : memref<128xi32, #tpu.memory_space<vmem>>, vector<16xi32>,
        %add3A_49 = vector.broadcast %add3A_47 : i32 to vector<16xi32>
        %add3A_50 = arith.addi %get3A_48, %add3A_49 : vector<16xi32>
        %get3A_51 = arith.constant 16 : index
        %get3A_52 = tpu.vector_load %arg8[%get3A_51] {strides = array<i32>} : memref<128xi32, #tpu.memory_space<vmem>>, vector<16xi32>,
        %add3A_53 = vector.broadcast %add3A_47 : i32 to vector<16xi32>
        %add3A_54 = arith.addi %get3A_52, %add3A_53 : vector<16xi32>
        %get3A_55 = arith.constant 32 : index
        %get3A_56 = tpu.vector_load %arg8[%get3A_55] {strides = array<i32>} : memref<128xi32, #tpu.memory_space<vmem>>, vector<16xi32>,
        %add3A_57 = vector.broadcast %add3A_47 : i32 to vector<16xi32>
        %add3A_58 = arith.addi %get3A_56, %add3A_57 : vector<16xi32>
        %get3A_59 = arith.constant 48 : index
        %get3A_60 = tpu.vector_load %arg8[%get3A_59] {strides = array<i32>} : memref<128xi32, #tpu.memory_space<vmem>>, vector<16xi32>,
        %add3A_61 = vector.broadcast %add3A_47 : i32 to vector<16xi32>
        %add3A_62 = arith.addi %get3A_60, %add3A_61 : vector<16xi32>
        %get3A_63 = arith.constant 64 : index
        %get3A_64 = tpu.vector_load %arg8[%get3A_63] {strides = array<i32>} : memref<128xi32, #tpu.memory_space<vmem>>, vector<16xi32>,
        %add3A_65 = vector.broadcast %add3A_47 : i32 to vector<16xi32>
        %add3A_66 = arith.addi %get3A_64, %add3A_65 : vector<16xi32>
        %get3A_67 = arith.constant 80 : index
        %get3A_68 = tpu.vector_load %arg8[%get3A_67] {strides = array<i32>} : memref<128xi32, #tpu.memory_space<vmem>>, vector<16xi32>,
        %add3A_69 = vector.broadcast %add3A_47 : i32 to vector<16xi32>
        %add3A_70 = arith.addi %get3A_68, %add3A_69 : vector<16xi32>
        %get3A_71 = arith.constant 96 : index
        %get3A_72 = tpu.vector_load %arg8[%get3A_71] {strides = array<i32>} : memref<128xi32, #tpu.memory_space<vmem>>, vector<16xi32>,
        %add3A_73 = vector.broadcast %add3A_47 : i32 to vector<16xi32>
        %add3A_74 = arith.addi %get3A_72, %add3A_73 : vector<16xi32>
        %get3A_75 = arith.constant 112 : index
        %get3A_76 = tpu.vector_load %arg8[%get3A_75] {strides = array<i32>} : memref<128xi32, #tpu.memory_space<vmem>>, vector<16xi32>,
        %add3A_77 = vector.broadcast %add3A_47 : i32 to vector<16xi32>
        %add3A_78 = arith.addi %get3A_76, %add3A_77 : vector<16xi32>
        %broadcast_in_dim3A = arith.constant 0 : i32
        %broadcast_in_dim3A_79 = vector.broadcast %broadcast_in_dim3A : i32 to vector<16xi32>
        %broadcast_in_dim3A_80 = arith.constant 0 : i32
        %broadcast_in_dim3A_81 = vector.broadcast %broadcast_in_dim3A_80 : i32 to vector<16xi32>
        %broadcast_in_dim3A_82 = arith.constant 0 : i32
        %broadcast_in_dim3A_83 = vector.broadcast %broadcast_in_dim3A_82 : i32 to vector<16xi32>
        %broadcast_in_dim3A_84 = arith.constant 0 : i32
        %broadcast_in_dim3A_85 = vector.broadcast %broadcast_in_dim3A_84 : i32 to vector<16xi32>
        %broadcast_in_dim3A_86 = arith.constant 0 : i32
        %broadcast_in_dim3A_87 = vector.broadcast %broadcast_in_dim3A_86 : i32 to vector<16xi32>
        %broadcast_in_dim3A_88 = arith.constant 0 : i32
        %broadcast_in_dim3A_89 = vector.broadcast %broadcast_in_dim3A_88 : i32 to vector<16xi32>
        %broadcast_in_dim3A_90 = arith.constant 0 : i32
        %broadcast_in_dim3A_91 = vector.broadcast %broadcast_in_dim3A_90 : i32 to vector<16xi32>
        %broadcast_in_dim3A_92 = arith.constant 0 : i32
        %broadcast_in_dim3A_93 = vector.broadcast %broadcast_in_dim3A_92 : i32 to vector<16xi32>
        %broadcast_in_dim3A_94 = arith.constant 102400 : i32
        %broadcast_in_dim3A_95 = vector.broadcast %broadcast_in_dim3A_94 : i32 to vector<16xi32>
        %broadcast_in_dim3A_96 = arith.constant 102400 : i32
        %broadcast_in_dim3A_97 = vector.broadcast %broadcast_in_dim3A_96 : i32 to vector<16xi32>
        %broadcast_in_dim3A_98 = arith.constant 102400 : i32
        %broadcast_in_dim3A_99 = vector.broadcast %broadcast_in_dim3A_98 : i32 to vector<16xi32>
        %broadcast_in_dim3A_100 = arith.constant 102400 : i32
        %broadcast_in_dim3A_101 = vector.broadcast %broadcast_in_dim3A_100 : i32 to vector<16xi32>
        %broadcast_in_dim3A_102 = arith.constant 102400 : i32
        %broadcast_in_dim3A_103 = vector.broadcast %broadcast_in_dim3A_102 : i32 to vector<16xi32>
        %broadcast_in_dim3A_104 = arith.constant 102400 : i32
        %broadcast_in_dim3A_105 = vector.broadcast %broadcast_in_dim3A_104 : i32 to vector<16xi32>
        %broadcast_in_dim3A_106 = arith.constant 102400 : i32
        %broadcast_in_dim3A_107 = vector.broadcast %broadcast_in_dim3A_106 : i32 to vector<16xi32>
        %broadcast_in_dim3A_108 = arith.constant 102400 : i32
        %broadcast_in_dim3A_109 = vector.broadcast %broadcast_in_dim3A_108 : i32 to vector<16xi32>
        %scan3A_110 = arith.constant 0 : i32
        %scan3A_111 = arith.constant 17 : i32
        %scan3A_112 = arith.addi %scan3A_110, %scan3A_111 : i32
        %scan3A_113 = arith.constant 1 : i32
        %scan3A_114:16 = scf.for %scan3A_208 = %scan3A_110 to %scan3A_112 step %scan3A_113 iter_args(%scan3A_209 = %broadcast_in_dim3A_79, %scan3A_210 = %broadcast_in_dim3A_81, %scan3A_211 = %broadcast_in_dim3A_83, %scan3A_212 = %broadcast_in_dim3A_85, %scan3A_213 = %broadcast_in_dim3A_87, %scan3A_214 = %broadcast_in_dim3A_89, %scan3A_215 = %broadcast_in_dim3A_91, %scan3A_216 = %broadcast_in_dim3A_93, %scan3A_217 = %broadcast_in_dim3A_95, %scan3A_218 = %broadcast_in_dim3A_97, %scan3A_219 = %broadcast_in_dim3A_99, %scan3A_220 = %broadcast_in_dim3A_101, %scan3A_221 = %broadcast_in_dim3A_103, %scan3A_222 = %broadcast_in_dim3A_105, %scan3A_223 = %broadcast_in_dim3A_107, %scan3A_224 = %broadcast_in_dim3A_109) -> (vector<16xi32>, vector<16xi32>, vector<16xi32>, vector<16xi32>, vector<16xi32>, vector<16xi32>, vector<16xi32>, vector<16xi32>, vector<16xi32>, vector<16xi32>, vector<16xi32>, vector<16xi32>, vector<16xi32>, vector<16xi32>, vector<16xi32>, vector<16xi32>)  : i32 {
          %add3A_225 = arith.addi %scan3A_209, %scan3A_217 : vector<16xi32>
          %shift_right_arithmetic3A = arith.constant 1 : i32
          %shift_right_arithmetic3A_226 = vector.broadcast %shift_right_arithmetic3A : i32 to vector<16xi32>
          %shift_right_arithmetic3A_227 = arith.shrsi %add3A_225, %shift_right_arithmetic3A_226 : vector<16xi32>
          %gather3A_228 = tpu.vector_load_idx %arg7[%shift_right_arithmetic3A_227] : memref<102400xi32, #tpu.memory_space<vmem>>[vector<16xi32>], vector<16xi32>,
          %lt3A = arith.cmpi slt, %gather3A_228, %add3A_50 : vector<16xi32>
          %add3A_229 = arith.constant 1 : i32
          %add3A_230 = vector.broadcast %add3A_229 : i32 to vector<16xi32>
          %add3A_231 = arith.addi %shift_right_arithmetic3A_227, %add3A_230 : vector<16xi32>
          %select_n3A_232 = arith.select %lt3A, %add3A_231, %scan3A_209 : vector<16xi1>, vector<16xi32>
          %select_n3A_233 = arith.select %lt3A, %scan3A_217, %shift_right_arithmetic3A_227 : vector<16xi1>, vector<16xi32>
          %add3A_234 = arith.addi %scan3A_210, %scan3A_218 : vector<16xi32>
          %shift_right_arithmetic3A_235 = arith.constant 1 : i32
          %shift_right_arithmetic3A_236 = vector.broadcast %shift_right_arithmetic3A_235 : i32 to vector<16xi32>
          %shift_right_arithmetic3A_237 = arith.shrsi %add3A_234, %shift_right_arithmetic3A_236 : vector<16xi32>
          %gather3A_238 = tpu.vector_load_idx %arg7[%shift_right_arithmetic3A_237] : memref<102400xi32, #tpu.memory_space<vmem>>[vector<16xi32>], vector<16xi32>,
          %lt3A_239 = arith.cmpi slt, %gather3A_238, %add3A_54 : vector<16xi32>
          %add3A_240 = arith.constant 1 : i32
          %add3A_241 = vector.broadcast %add3A_240 : i32 to vector<16xi32>
          %add3A_242 = arith.addi %shift_right_arithmetic3A_237, %add3A_241 : vector<16xi32>
          %select_n3A_243 = arith.select %lt3A_239, %add3A_242, %scan3A_210 : vector<16xi1>, vector<16xi32>
          %select_n3A_244 = arith.select %lt3A_239, %scan3A_218, %shift_right_arithmetic3A_237 : vector<16xi1>, vector<16xi32>
          %add3A_245 = arith.addi %scan3A_211, %scan3A_219 : vector<16xi32>
          %shift_right_arithmetic3A_246 = arith.constant 1 : i32
          %shift_right_arithmetic3A_247 = vector.broadcast %shift_right_arithmetic3A_246 : i32 to vector<16xi32>
          %shift_right_arithmetic3A_248 = arith.shrsi %add3A_245, %shift_right_arithmetic3A_247 : vector<16xi32>
          %gather3A_249 = tpu.vector_load_idx %arg7[%shift_right_arithmetic3A_248] : memref<102400xi32, #tpu.memory_space<vmem>>[vector<16xi32>], vector<16xi32>,
          %lt3A_250 = arith.cmpi slt, %gather3A_249, %add3A_58 : vector<16xi32>
          %add3A_251 = arith.constant 1 : i32
          %add3A_252 = vector.broadcast %add3A_251 : i32 to vector<16xi32>
          %add3A_253 = arith.addi %shift_right_arithmetic3A_248, %add3A_252 : vector<16xi32>
          %select_n3A_254 = arith.select %lt3A_250, %add3A_253, %scan3A_211 : vector<16xi1>, vector<16xi32>
          %select_n3A_255 = arith.select %lt3A_250, %scan3A_219, %shift_right_arithmetic3A_248 : vector<16xi1>, vector<16xi32>
          %add3A_256 = arith.addi %scan3A_212, %scan3A_220 : vector<16xi32>
          %shift_right_arithmetic3A_257 = arith.constant 1 : i32
          %shift_right_arithmetic3A_258 = vector.broadcast %shift_right_arithmetic3A_257 : i32 to vector<16xi32>
          %shift_right_arithmetic3A_259 = arith.shrsi %add3A_256, %shift_right_arithmetic3A_258 : vector<16xi32>
          %gather3A_260 = tpu.vector_load_idx %arg7[%shift_right_arithmetic3A_259] : memref<102400xi32, #tpu.memory_space<vmem>>[vector<16xi32>], vector<16xi32>,
          %lt3A_261 = arith.cmpi slt, %gather3A_260, %add3A_62 : vector<16xi32>
          %add3A_262 = arith.constant 1 : i32
          %add3A_263 = vector.broadcast %add3A_262 : i32 to vector<16xi32>
          %add3A_264 = arith.addi %shift_right_arithmetic3A_259, %add3A_263 : vector<16xi32>
          %select_n3A_265 = arith.select %lt3A_261, %add3A_264, %scan3A_212 : vector<16xi1>, vector<16xi32>
          %select_n3A_266 = arith.select %lt3A_261, %scan3A_220, %shift_right_arithmetic3A_259 : vector<16xi1>, vector<16xi32>
          %add3A_267 = arith.addi %scan3A_213, %scan3A_221 : vector<16xi32>
          %shift_right_arithmetic3A_268 = arith.constant 1 : i32
          %shift_right_arithmetic3A_269 = vector.broadcast %shift_right_arithmetic3A_268 : i32 to vector<16xi32>
          %shift_right_arithmetic3A_270 = arith.shrsi %add3A_267, %shift_right_arithmetic3A_269 : vector<16xi32>
          %gather3A_271 = tpu.vector_load_idx %arg7[%shift_right_arithmetic3A_270] : memref<102400xi32, #tpu.memory_space<vmem>>[vector<16xi32>], vector<16xi32>,
          %lt3A_272 = arith.cmpi slt, %gather3A_271, %add3A_66 : vector<16xi32>
          %add3A_273 = arith.constant 1 : i32
          %add3A_274 = vector.broadcast %add3A_273 : i32 to vector<16xi32>
          %add3A_275 = arith.addi %shift_right_arithmetic3A_270, %add3A_274 : vector<16xi32>
          %select_n3A_276 = arith.select %lt3A_272, %add3A_275, %scan3A_213 : vector<16xi1>, vector<16xi32>
          %select_n3A_277 = arith.select %lt3A_272, %scan3A_221, %shift_right_arithmetic3A_270 : vector<16xi1>, vector<16xi32>
          %add3A_278 = arith.addi %scan3A_214, %scan3A_222 : vector<16xi32>
          %shift_right_arithmetic3A_279 = arith.constant 1 : i32
          %shift_right_arithmetic3A_280 = vector.broadcast %shift_right_arithmetic3A_279 : i32 to vector<16xi32>
          %shift_right_arithmetic3A_281 = arith.shrsi %add3A_278, %shift_right_arithmetic3A_280 : vector<16xi32>
          %gather3A_282 = tpu.vector_load_idx %arg7[%shift_right_arithmetic3A_281] : memref<102400xi32, #tpu.memory_space<vmem>>[vector<16xi32>], vector<16xi32>,
          %lt3A_283 = arith.cmpi slt, %gather3A_282, %add3A_70 : vector<16xi32>
          %add3A_284 = arith.constant 1 : i32
          %add3A_285 = vector.broadcast %add3A_284 : i32 to vector<16xi32>
          %add3A_286 = arith.addi %shift_right_arithmetic3A_281, %add3A_285 : vector<16xi32>
          %select_n3A_287 = arith.select %lt3A_283, %add3A_286, %scan3A_214 : vector<16xi1>, vector<16xi32>
          %select_n3A_288 = arith.select %lt3A_283, %scan3A_222, %shift_right_arithmetic3A_281 : vector<16xi1>, vector<16xi32>
          %add3A_289 = arith.addi %scan3A_215, %scan3A_223 : vector<16xi32>
          %shift_right_arithmetic3A_290 = arith.constant 1 : i32
          %shift_right_arithmetic3A_291 = vector.broadcast %shift_right_arithmetic3A_290 : i32 to vector<16xi32>
          %shift_right_arithmetic3A_292 = arith.shrsi %add3A_289, %shift_right_arithmetic3A_291 : vector<16xi32>
          %gather3A_293 = tpu.vector_load_idx %arg7[%shift_right_arithmetic3A_292] : memref<102400xi32, #tpu.memory_space<vmem>>[vector<16xi32>], vector<16xi32>,
          %lt3A_294 = arith.cmpi slt, %gather3A_293, %add3A_74 : vector<16xi32>
          %add3A_295 = arith.constant 1 : i32
          %add3A_296 = vector.broadcast %add3A_295 : i32 to vector<16xi32>
          %add3A_297 = arith.addi %shift_right_arithmetic3A_292, %add3A_296 : vector<16xi32>
          %select_n3A_298 = arith.select %lt3A_294, %add3A_297, %scan3A_215 : vector<16xi1>, vector<16xi32>
          %select_n3A_299 = arith.select %lt3A_294, %scan3A_223, %shift_right_arithmetic3A_292 : vector<16xi1>, vector<16xi32>
          %add3A_300 = arith.addi %scan3A_216, %scan3A_224 : vector<16xi32>
          %shift_right_arithmetic3A_301 = arith.constant 1 : i32
          %shift_right_arithmetic3A_302 = vector.broadcast %shift_right_arithmetic3A_301 : i32 to vector<16xi32>
          %shift_right_arithmetic3A_303 = arith.shrsi %add3A_300, %shift_right_arithmetic3A_302 : vector<16xi32>
          %gather3A_304 = tpu.vector_load_idx %arg7[%shift_right_arithmetic3A_303] : memref<102400xi32, #tpu.memory_space<vmem>>[vector<16xi32>], vector<16xi32>,
          %lt3A_305 = arith.cmpi slt, %gather3A_304, %add3A_78 : vector<16xi32>
          %add3A_306 = arith.constant 1 : i32
          %add3A_307 = vector.broadcast %add3A_306 : i32 to vector<16xi32>
          %add3A_308 = arith.addi %shift_right_arithmetic3A_303, %add3A_307 : vector<16xi32>
          %select_n3A_309 = arith.select %lt3A_305, %add3A_308, %scan3A_216 : vector<16xi1>, vector<16xi32>
          %select_n3A_310 = arith.select %lt3A_305, %scan3A_224, %shift_right_arithmetic3A_303 : vector<16xi1>, vector<16xi32>
          scf.yield %select_n3A_232, %select_n3A_243, %select_n3A_254, %select_n3A_265, %select_n3A_276, %select_n3A_287, %select_n3A_298, %select_n3A_309, %select_n3A_233, %select_n3A_244, %select_n3A_255, %select_n3A_266, %select_n3A_277, %select_n3A_288, %select_n3A_299, %select_n3A_310 : vector<16xi32>, vector<16xi32>, vector<16xi32>, vector<16xi32>, vector<16xi32>, vector<16xi32>, vector<16xi32>, vector<16xi32>, vector<16xi32>, vector<16xi32>, vector<16xi32>, vector<16xi32>, vector<16xi32>, vector<16xi32>, vector<16xi32>, vector<16xi32>
        }
        %scan3A_115 = arith.constant 17 : i32
        %min3A = arith.constant 99999 : i32
        %min3A_116 = vector.broadcast %min3A : i32 to vector<16xi32>
        %min3A_117 = arith.minsi %scan3A_114#0, %min3A_116 : vector<16xi32>
        %gather3A = tpu.vector_load_idx %arg7[%min3A_117] : memref<102400xi32, #tpu.memory_space<vmem>>[vector<16xi32>], vector<16xi32>,
        %eq3A = arith.cmpi eq, %gather3A, %add3A_50 : vector<16xi32>
        %jit3A = arith.constant 100000 : i32
        %broadcast_in_dim3A_118 = vector.broadcast %jit3A : i32 to vector<16xi32>
        %select_n3A = arith.select %eq3A, %min3A_117, %broadcast_in_dim3A_118 : vector<16xi1>, vector<16xi32>
        %swap3A = arith.constant 0 : index
        %swap3A_119 = tpu.vector_load %arg9[%swap3A] {strides = array<i32>} : memref<128xi32, #tpu.memory_space<vmem>>, vector<16xi32>,
        tpu.vector_store %arg9[%swap3A], %select_n3A {strides = array<i32>} : memref<128xi32, #tpu.memory_space<vmem>>, vector<16xi32>,
        %min3A_120 = arith.constant 99999 : i32
        %min3A_121 = vector.broadcast %min3A_120 : i32 to vector<16xi32>
        %min3A_122 = arith.minsi %scan3A_114#1, %min3A_121 : vector<16xi32>
        %gather3A_123 = tpu.vector_load_idx %arg7[%min3A_122] : memref<102400xi32, #tpu.memory_space<vmem>>[vector<16xi32>], vector<16xi32>,
        %eq3A_124 = arith.cmpi eq, %gather3A_123, %add3A_54 : vector<16xi32>
        %or3A = arith.ori %eq3A, %eq3A_124 : vector<16xi1>
        %jit3A_125 = arith.constant 100000 : i32
        %broadcast_in_dim3A_126 = vector.broadcast %jit3A_125 : i32 to vector<16xi32>
        %select_n3A_127 = arith.select %eq3A_124, %min3A_122, %broadcast_in_dim3A_126 : vector<16xi1>, vector<16xi32>
        %swap3A_128 = arith.constant 16 : index
        %swap3A_129 = tpu.vector_load %arg9[%swap3A_128] {strides = array<i32>} : memref<128xi32, #tpu.memory_space<vmem>>, vector<16xi32>,
        tpu.vector_store %arg9[%swap3A_128], %select_n3A_127 {strides = array<i32>} : memref<128xi32, #tpu.memory_space<vmem>>, vector<16xi32>,
        %min3A_130 = arith.constant 99999 : i32
        %min3A_131 = vector.broadcast %min3A_130 : i32 to vector<16xi32>
        %min3A_132 = arith.minsi %scan3A_114#2, %min3A_131 : vector<16xi32>
        %gather3A_133 = tpu.vector_load_idx %arg7[%min3A_132] : memref<102400xi32, #tpu.memory_space<vmem>>[vector<16xi32>], vector<16xi32>,
        %eq3A_134 = arith.cmpi eq, %gather3A_133, %add3A_58 : vector<16xi32>
        %or3A_135 = arith.ori %or3A, %eq3A_134 : vector<16xi1>
        %jit3A_136 = arith.constant 100000 : i32
        %broadcast_in_dim3A_137 = vector.broadcast %jit3A_136 : i32 to vector<16xi32>
        %select_n3A_138 = arith.select %eq3A_134, %min3A_132, %broadcast_in_dim3A_137 : vector<16xi1>, vector<16xi32>
        %swap3A_139 = arith.constant 32 : index
        %swap3A_140 = tpu.vector_load %arg9[%swap3A_139] {strides = array<i32>} : memref<128xi32, #tpu.memory_space<vmem>>, vector<16xi32>,
        tpu.vector_store %arg9[%swap3A_139], %select_n3A_138 {strides = array<i32>} : memref<128xi32, #tpu.memory_space<vmem>>, vector<16xi32>,
        %min3A_141 = arith.constant 99999 : i32
        %min3A_142 = vector.broadcast %min3A_141 : i32 to vector<16xi32>
        %min3A_143 = arith.minsi %scan3A_114#3, %min3A_142 : vector<16xi32>
        %gather3A_144 = tpu.vector_load_idx %arg7[%min3A_143] : memref<102400xi32, #tpu.memory_space<vmem>>[vector<16xi32>], vector<16xi32>,
        %eq3A_145 = arith.cmpi eq, %gather3A_144, %add3A_62 : vector<16xi32>
        %or3A_146 = arith.ori %or3A_135, %eq3A_145 : vector<16xi1>
        %jit3A_147 = arith.constant 100000 : i32
        %broadcast_in_dim3A_148 = vector.broadcast %jit3A_147 : i32 to vector<16xi32>
        %select_n3A_149 = arith.select %eq3A_145, %min3A_143, %broadcast_in_dim3A_148 : vector<16xi1>, vector<16xi32>
        %swap3A_150 = arith.constant 48 : index
        %swap3A_151 = tpu.vector_load %arg9[%swap3A_150] {strides = array<i32>} : memref<128xi32, #tpu.memory_space<vmem>>, vector<16xi32>,
        tpu.vector_store %arg9[%swap3A_150], %select_n3A_149 {strides = array<i32>} : memref<128xi32, #tpu.memory_space<vmem>>, vector<16xi32>,
        %min3A_152 = arith.constant 99999 : i32
        %min3A_153 = vector.broadcast %min3A_152 : i32 to vector<16xi32>
        %min3A_154 = arith.minsi %scan3A_114#4, %min3A_153 : vector<16xi32>
        %gather3A_155 = tpu.vector_load_idx %arg7[%min3A_154] : memref<102400xi32, #tpu.memory_space<vmem>>[vector<16xi32>], vector<16xi32>,
        %eq3A_156 = arith.cmpi eq, %gather3A_155, %add3A_66 : vector<16xi32>
        %or3A_157 = arith.ori %or3A_146, %eq3A_156 : vector<16xi1>
        %jit3A_158 = arith.constant 100000 : i32
        %broadcast_in_dim3A_159 = vector.broadcast %jit3A_158 : i32 to vector<16xi32>
        %select_n3A_160 = arith.select %eq3A_156, %min3A_154, %broadcast_in_dim3A_159 : vector<16xi1>, vector<16xi32>
        %swap3A_161 = arith.constant 64 : index
        %swap3A_162 = tpu.vector_load %arg9[%swap3A_161] {strides = array<i32>} : memref<128xi32, #tpu.memory_space<vmem>>, vector<16xi32>,
        tpu.vector_store %arg9[%swap3A_161], %select_n3A_160 {strides = array<i32>} : memref<128xi32, #tpu.memory_space<vmem>>, vector<16xi32>,
        %min3A_163 = arith.constant 99999 : i32
        %min3A_164 = vector.broadcast %min3A_163 : i32 to vector<16xi32>
        %min3A_165 = arith.minsi %scan3A_114#5, %min3A_164 : vector<16xi32>
        %gather3A_166 = tpu.vector_load_idx %arg7[%min3A_165] : memref<102400xi32, #tpu.memory_space<vmem>>[vector<16xi32>], vector<16xi32>,
        %eq3A_167 = arith.cmpi eq, %gather3A_166, %add3A_70 : vector<16xi32>
        %or3A_168 = arith.ori %or3A_157, %eq3A_167 : vector<16xi1>
        %jit3A_169 = arith.constant 100000 : i32
        %broadcast_in_dim3A_170 = vector.broadcast %jit3A_169 : i32 to vector<16xi32>
        %select_n3A_171 = arith.select %eq3A_167, %min3A_165, %broadcast_in_dim3A_170 : vector<16xi1>, vector<16xi32>
        %swap3A_172 = arith.constant 80 : index
        %swap3A_173 = tpu.vector_load %arg9[%swap3A_172] {strides = array<i32>} : memref<128xi32, #tpu.memory_space<vmem>>, vector<16xi32>,
        tpu.vector_store %arg9[%swap3A_172], %select_n3A_171 {strides = array<i32>} : memref<128xi32, #tpu.memory_space<vmem>>, vector<16xi32>,
        %min3A_174 = arith.constant 99999 : i32
        %min3A_175 = vector.broadcast %min3A_174 : i32 to vector<16xi32>
        %min3A_176 = arith.minsi %scan3A_114#6, %min3A_175 : vector<16xi32>
        %gather3A_177 = tpu.vector_load_idx %arg7[%min3A_176] : memref<102400xi32, #tpu.memory_space<vmem>>[vector<16xi32>], vector<16xi32>,
        %eq3A_178 = arith.cmpi eq, %gather3A_177, %add3A_74 : vector<16xi32>
        %or3A_179 = arith.ori %or3A_168, %eq3A_178 : vector<16xi1>
        %jit3A_180 = arith.constant 100000 : i32
        %broadcast_in_dim3A_181 = vector.broadcast %jit3A_180 : i32 to vector<16xi32>
        %select_n3A_182 = arith.select %eq3A_178, %min3A_176, %broadcast_in_dim3A_181 : vector<16xi1>, vector<16xi32>
        %swap3A_183 = arith.constant 96 : index
        %swap3A_184 = tpu.vector_load %arg9[%swap3A_183] {strides = array<i32>} : memref<128xi32, #tpu.memory_space<vmem>>, vector<16xi32>,
        tpu.vector_store %arg9[%swap3A_183], %select_n3A_182 {strides = array<i32>} : memref<128xi32, #tpu.memory_space<vmem>>, vector<16xi32>,
        %min3A_185 = arith.constant 99999 : i32
        %min3A_186 = vector.broadcast %min3A_185 : i32 to vector<16xi32>
        %min3A_187 = arith.minsi %scan3A_114#7, %min3A_186 : vector<16xi32>
        %gather3A_188 = tpu.vector_load_idx %arg7[%min3A_187] : memref<102400xi32, #tpu.memory_space<vmem>>[vector<16xi32>], vector<16xi32>,
        %eq3A_189 = arith.cmpi eq, %gather3A_188, %add3A_78 : vector<16xi32>
        %or3A_190 = arith.ori %or3A_179, %eq3A_189 : vector<16xi1>
        %jit3A_191 = arith.constant 100000 : i32
        %broadcast_in_dim3A_192 = vector.broadcast %jit3A_191 : i32 to vector<16xi32>
        %select_n3A_193 = arith.select %eq3A_189, %min3A_187, %broadcast_in_dim3A_192 : vector<16xi1>, vector<16xi32>
        %swap3A_194 = arith.constant 112 : index
        %swap3A_195 = tpu.vector_load %arg9[%swap3A_194] {strides = array<i32>} : memref<128xi32, #tpu.memory_space<vmem>>, vector<16xi32>,
        tpu.vector_store %arg9[%swap3A_194], %select_n3A_193 {strides = array<i32>} : memref<128xi32, #tpu.memory_space<vmem>>, vector<16xi32>,
        %reduce_or3A = arith.constant 1.000000e+00 : f32
        %reduce_or3A_196 = arith.constant 0.000000e+00 : f32
        %reduce_or3A_197 = vector.broadcast %reduce_or3A : f32 to vector<16xf32>
        %reduce_or3A_198 = vector.broadcast %reduce_or3A_196 : f32 to vector<16xf32>
        %reduce_or3A_199 = arith.select %or3A_190, %reduce_or3A_197, %reduce_or3A_198 : vector<16xi1>, vector<16xf32>
        %reduce_or3A_200 = arith.constant true
        %reduce_or3A_201 = vector.broadcast %reduce_or3A_200 : i1 to vector<16xi1>
        %reduce_or3A_202 = tpu.scan <max>, %reduce_or3A_199 masked %reduce_or3A_201 : vector<16xf32>, vector<16xi1> -> vector<16xf32>
        %reduce_or3A_203 = vector.extract %reduce_or3A_202[15] : f32 from vector<16xf32>
        %reduce_or3A_204 = arith.constant 0.000000e+00 : f32
        %reduce_or3A_205 = arith.cmpf ogt, %reduce_or3A_203, %reduce_or3A_204 : f32
        %convert_element_type3A = arith.extui %reduce_or3A_205 : i1 to i32
        %cond3A = arith.constant 0 : i32
        %cond3A_206 = arith.cmpi ne, %convert_element_type3A, %cond3A : i32
        %cond3A_207 = scf.if %cond3A_206 -> (i32) {
          %while3A_208 = arith.constant 0 : i32
          %while3A_209 = arith.constant 0 : i32
          %while3A_210 = arith.subi %scan3A_30, %while3A_209 : i32
          %while3A_211 = arith.addi %while3A_209, %while3A_210 : i32
          %while3A_212 = arith.constant 1 : i32
          %while3A_213 = arith.divsi %while3A_210, %while3A_212 : i32
          %while3A_214 = arith.muli %while3A_213, %while3A_212 : i32
          %while3A_215 = arith.addi %while3A_209, %while3A_214 : i32
          %while3A_216 = arith.constant 1 : i32
          scf.for %while3A_229 = %while3A_209 to %while3A_215 step %while3A_216  : i32 {
            tpu.wait_dma2 semaphore(%arg13 : memref<!tpu.dma_semaphore, #tpu.memory_space<semaphore_mem>>) src(%arg5 : memref<128x32xbf16, #tpu.memory_space<hbm>>) dst(%arg10 : memref<128x32xbf16, #tpu.memory_space<vmem>>)
          }
          %while3A_217 = arith.constant 1 : i32
          scf.for %while3A_229 = %while3A_215 to %while3A_211 step %while3A_217  : i32 {
            tpu.wait_dma2 semaphore(%arg13 : memref<!tpu.dma_semaphore, #tpu.memory_space<semaphore_mem>>) src(%arg5 : memref<128x32xbf16, #tpu.memory_space<hbm>>) dst(%arg10 : memref<128x32xbf16, #tpu.memory_space<vmem>>)
          }
          %dma_start3A = arith.constant 0 : i32
          %dma_start3A_218 = arith.constant 0 : i32
          %dma_start3A_219 = tpu.memref_slice %arg4[%dma_start3A, %dma_start3A_218] : memref<102400x32xbf16, #tpu.memory_space<hbm>> -> memref<102400x32xbf16, #tpu.memory_space<hbm>>
          tpu.enqueue_indirect_dma source(%dma_start3A_219 : memref<102400x32xbf16, #tpu.memory_space<hbm>>) target(%arg10 : memref<128x32xbf16, #tpu.memory_space<vmem>>) offsets(%arg9 : memref<128xi32, #tpu.memory_space<vmem>>) semaphore(%arg12 : memref<!tpu.dma_semaphore, #tpu.memory_space<semaphore_mem>>)
          %dma_wait3A = arith.constant 0 : i32
          %dma_wait3A_220 = arith.constant 0 : i32
          %dma_wait3A_221 = tpu.memref_slice %arg4[%dma_wait3A, %dma_wait3A_220] : memref<102400x32xbf16, #tpu.memory_space<hbm>> -> memref<102400x32xbf16, #tpu.memory_space<hbm>>
          tpu.wait_indirect_dma semaphore(%arg12 : memref<!tpu.dma_semaphore, #tpu.memory_space<semaphore_mem>>) src(%dma_wait3A_221 : memref<102400x32xbf16, #tpu.memory_space<hbm>>) dst(%arg10 : memref<128x32xbf16, #tpu.memory_space<vmem>>)
          %dma_start3A_222 = arith.constant 0 : i32
          %dma_start3A_223 = tpu.memref_slice %arg6[%scan3A_29, %add3A_22, %dma_start3A_222] : memref<27x102400x32xbf16, #tpu.memory_space<hbm>> -> memref<1x128x32xbf16, #tpu.memory_space<hbm>>
          %dma_start3A_224 = tpu.memref_squeeze %dma_start3A_223 : memref<1x128x32xbf16, #tpu.memory_space<hbm>> -> memref<128x32xbf16, #tpu.memory_space<hbm>>
          %dma_start3A_225 = arith.constant 0 : i32
          %dma_start3A_226 = tpu.memref_slice %arg6[%scan3A_29, %add3A_22, %dma_start3A_225] : memref<27x102400x32xbf16, #tpu.memory_space<hbm>> -> memref<1x128x32xbf16, #tpu.memory_space<hbm>>
          %dma_start3A_227 = tpu.memref_squeeze %dma_start3A_226 : memref<1x128x32xbf16, #tpu.memory_space<hbm>> -> memref<128x32xbf16, #tpu.memory_space<hbm>>
          tpu.enqueue_dma source(%arg10 : memref<128x32xbf16, #tpu.memory_space<vmem>>) target(%dma_start3A_227 : memref<128x32xbf16, #tpu.memory_space<hbm>>) target_semaphore(%arg13 : memref<!tpu.dma_semaphore, #tpu.memory_space<semaphore_mem>>)
          %cond3A_228 = arith.constant 1 : i32
          scf.yield %cond3A_228 : i32
        } else {
          %dma_start3A = arith.constant 0 : i32
          %dma_start3A_208 = tpu.memref_slice %arg6[%scan3A_29, %add3A_22, %dma_start3A] : memref<27x102400x32xbf16, #tpu.memory_space<hbm>> -> memref<1x128x32xbf16, #tpu.memory_space<hbm>>
          %dma_start3A_209 = tpu.memref_squeeze %dma_start3A_208 : memref<1x128x32xbf16, #tpu.memory_space<hbm>> -> memref<128x32xbf16, #tpu.memory_space<hbm>>
          %dma_start3A_210 = arith.constant 0 : i32
          %dma_start3A_211 = tpu.memref_slice %arg6[%scan3A_29, %add3A_22, %dma_start3A_210] : memref<27x102400x32xbf16, #tpu.memory_space<hbm>> -> memref<1x128x32xbf16, #tpu.memory_space<hbm>>
          %dma_start3A_212 = tpu.memref_squeeze %dma_start3A_211 : memref<1x128x32xbf16, #tpu.memory_space<hbm>> -> memref<128x32xbf16, #tpu.memory_space<hbm>>
          tpu.enqueue_dma source(%arg11 : memref<128x32xbf16, #tpu.memory_space<vmem>>) target(%dma_start3A_212 : memref<128x32xbf16, #tpu.memory_space<hbm>>) target_semaphore(%arg13 : memref<!tpu.dma_semaphore, #tpu.memory_space<semaphore_mem>>)
          %add3A_213 = arith.constant 1 : i32
          %add3A_214 = arith.addi %scan3A_30, %add3A_213 : i32
          scf.yield %add3A_214 : i32
        }
        scf.yield %cond3A_207 : i32
      }
      %scan3A_28 = arith.constant 27 : i32
      scf.yield %scan3A_27 : i32
    }
    %scan3A_8 = arith.constant 25 : i32
    %while3A = arith.constant 0 : i32
    %while3A_9 = arith.constant 0 : i32
    %while3A_10 = arith.subi %scan3A_7, %while3A_9 : i32
    %while3A_11 = arith.addi %while3A_9, %while3A_10 : i32
    %while3A_12 = arith.constant 1 : i32
    %while3A_13 = arith.divsi %while3A_10, %while3A_12 : i32
    %while3A_14 = arith.muli %while3A_13, %while3A_12 : i32
    %while3A_15 = arith.addi %while3A_9, %while3A_14 : i32
    %while3A_16 = arith.constant 1 : i32
    scf.for %while3A_18 = %while3A_9 to %while3A_15 step %while3A_16  : i32 {
      tpu.wait_dma2 semaphore(%arg13 : memref<!tpu.dma_semaphore, #tpu.memory_space<semaphore_mem>>) src(%arg5 : memref<128x32xbf16, #tpu.memory_space<hbm>>) dst(%arg10 : memref<128x32xbf16, #tpu.memory_space<vmem>>)
    }
    %while3A_17 = arith.constant 1 : i32
    scf.for %while3A_18 = %while3A_15 to %while3A_11 step %while3A_17  : i32 {
      tpu.wait_dma2 semaphore(%arg13 : memref<!tpu.dma_semaphore, #tpu.memory_space<semaphore_mem>>) src(%arg5 : memref<128x32xbf16, #tpu.memory_space<hbm>>) dst(%arg10 : memref<128x32xbf16, #tpu.memory_space<vmem>>)
    }
    return
  }
}

#map = affine_map<(d0, d1) -> (0, 0)>
#map1 = affine_map<(d0, d1) -> (0)>
module attributes {stable_mosaic.version = 14 : i64} {
  func.func @_permute(%arg0: i32, %arg1: i32, %arg2: memref<100008x32xbf16, #tpu.memory_space<hbm>>, %arg3: memref<102400xi32, #tpu.memory_space<hbm>>, %arg4: memref<102400x32xbf16, #tpu.memory_space<hbm>>, %arg5: memref<128xi32, #tpu.memory_space<vmem>>, %arg6: memref<128x32xbf16, #tpu.memory_space<vmem>>, %arg7: memref<!tpu.dma_semaphore, #tpu.memory_space<semaphore_mem>>) attributes {dimension_semantics = [#tpu.dimension_semantics<core_parallel>, #tpu.dimension_semantics<subcore_parallel>], iteration_bounds = array<i64: 2, 16>, scalar_prefetch = 0 : i64, scratch_operands = 3 : i64, tpu.core_type = #tpu.core_type<sc_vector_subcore>, window_params = [{transform_indices = #map}, {transform_indices = #map1}, {transform_indices = #map}]} {
    %mul3A = arith.constant 2 : i32
    %mul3A_0 = arith.muli %arg1, %mul3A : i32
    %add3A = arith.addi %mul3A_0, %arg0 : i32
    %mul3A_1 = arith.constant 3200 : i32
    %mul3A_2 = arith.muli %add3A, %mul3A_1 : i32
    %scan3A = arith.constant 0 : i32
    %scan3A_3 = arith.constant 0 : i32
    %scan3A_4 = arith.constant 25 : i32
    %scan3A_5 = arith.addi %scan3A_3, %scan3A_4 : i32
    %scan3A_6 = arith.constant 1 : i32
    scf.for %scan3A_8 = %scan3A_3 to %scan3A_5 step %scan3A_6  : i32 {
      %mul3A_9 = arith.constant 128 : i32
      %mul3A_10 = arith.muli %scan3A_8, %mul3A_9 : i32
      %add3A_11 = arith.addi %mul3A_2, %mul3A_10 : i32
      "tpu.region"() ({
        %run_scoped3A = tpu.sem_alloc : memref<!tpu.dma_semaphore, #tpu.memory_space<semaphore_mem>>
        %dma_start3A_16 = tpu.memref_slice %arg3[%add3A_11] : memref<102400xi32, #tpu.memory_space<hbm>> -> memref<128xi32, #tpu.memory_space<hbm>>
        %dma_start3A_17 = tpu.memref_slice %arg3[%add3A_11] : memref<102400xi32, #tpu.memory_space<hbm>> -> memref<128xi32, #tpu.memory_space<hbm>>
        tpu.enqueue_dma source(%dma_start3A_17 : memref<128xi32, #tpu.memory_space<hbm>>) target(%arg5 : memref<128xi32, #tpu.memory_space<vmem>>) target_semaphore(%run_scoped3A : memref<!tpu.dma_semaphore, #tpu.memory_space<semaphore_mem>>)
        %dma_wait3A_18 = tpu.memref_slice %arg3[%add3A_11] : memref<102400xi32, #tpu.memory_space<hbm>> -> memref<128xi32, #tpu.memory_space<hbm>>
        %dma_wait3A_19 = tpu.memref_slice %arg3[%add3A_11] : memref<102400xi32, #tpu.memory_space<hbm>> -> memref<128xi32, #tpu.memory_space<hbm>>
        tpu.wait_dma2 semaphore(%run_scoped3A : memref<!tpu.dma_semaphore, #tpu.memory_space<semaphore_mem>>) src(%dma_wait3A_19 : memref<128xi32, #tpu.memory_space<hbm>>) dst(%arg5 : memref<128xi32, #tpu.memory_space<vmem>>)
        tpu.yield
      }) : () -> ()
      %dma_start3A = arith.constant 0 : i32
      %dma_start3A_12 = arith.constant 0 : i32
      %dma_start3A_13 = tpu.memref_slice %arg2[%dma_start3A, %dma_start3A_12] : memref<100008x32xbf16, #tpu.memory_space<hbm>> -> memref<100008x32xbf16, #tpu.memory_space<hbm>>
      tpu.enqueue_indirect_dma source(%dma_start3A_13 : memref<100008x32xbf16, #tpu.memory_space<hbm>>) target(%arg6 : memref<128x32xbf16, #tpu.memory_space<vmem>>) offsets(%arg5 : memref<128xi32, #tpu.memory_space<vmem>>) semaphore(%arg7 : memref<!tpu.dma_semaphore, #tpu.memory_space<semaphore_mem>>)
      %dma_wait3A = arith.constant 0 : i32
      %dma_wait3A_14 = arith.constant 0 : i32
      %dma_wait3A_15 = tpu.memref_slice %arg2[%dma_wait3A, %dma_wait3A_14] : memref<100008x32xbf16, #tpu.memory_space<hbm>> -> memref<100008x32xbf16, #tpu.memory_space<hbm>>
      tpu.wait_indirect_dma semaphore(%arg7 : memref<!tpu.dma_semaphore, #tpu.memory_space<semaphore_mem>>) src(%dma_wait3A_15 : memref<100008x32xbf16, #tpu.memory_space<hbm>>) dst(%arg6 : memref<128x32xbf16, #tpu.memory_space<vmem>>)
      "tpu.region"() ({
        %run_scoped3A = tpu.sem_alloc : memref<!tpu.dma_semaphore, #tpu.memory_space<semaphore_mem>>
        %dma_start3A_16 = arith.constant 0 : i32
        %dma_start3A_17 = tpu.memref_slice %arg4[%add3A_11, %dma_start3A_16] : memref<102400x32xbf16, #tpu.memory_space<hbm>> -> memref<128x32xbf16, #tpu.memory_space<hbm>>
        %dma_start3A_18 = arith.constant 0 : i32
        %dma_start3A_19 = tpu.memref_slice %arg4[%add3A_11, %dma_start3A_18] : memref<102400x32xbf16, #tpu.memory_space<hbm>> -> memref<128x32xbf16, #tpu.memory_space<hbm>>
        tpu.enqueue_dma source(%arg6 : memref<128x32xbf16, #tpu.memory_space<vmem>>) target(%dma_start3A_19 : memref<128x32xbf16, #tpu.memory_space<hbm>>) target_semaphore(%run_scoped3A : memref<!tpu.dma_semaphore, #tpu.memory_space<semaphore_mem>>)
        %dma_wait3A_20 = arith.constant 0 : i32
        %dma_wait3A_21 = tpu.memref_slice %arg4[%add3A_11, %dma_wait3A_20] : memref<102400x32xbf16, #tpu.memory_space<hbm>> -> memref<128x32xbf16, #tpu.memory_space<hbm>>
        %dma_wait3A_22 = arith.constant 0 : i32
        %dma_wait3A_23 = tpu.memref_slice %arg4[%add3A_11, %dma_wait3A_22] : memref<102400x32xbf16, #tpu.memory_space<hbm>> -> memref<128x32xbf16, #tpu.memory_space<hbm>>
        tpu.wait_dma2 semaphore(%run_scoped3A : memref<!tpu.dma_semaphore, #tpu.memory_space<semaphore_mem>>) src(%arg6 : memref<128x32xbf16, #tpu.memory_space<vmem>>) dst(%dma_wait3A_23 : memref<128x32xbf16, #tpu.memory_space<hbm>>)
        tpu.yield
      }) : () -> ()
    }
    %scan3A_7 = arith.constant 25 : i32
    return
  }
}

module attributes {stable_mosaic.version = 14 : i64} {
  func.func @_matmul_body(%arg0: i32, %arg1: i32, %arg2: memref<1x2048x32xbf16, #tpu.memory_space<vmem>>, %arg3: memref<1x32x32xf32, #tpu.memory_space<vmem>>, %arg4: memref<1x32xf32, #tpu.memory_space<vmem>>, %arg5: memref<2048x32xf32, #tpu.memory_space<vmem>>) attributes {dimension_semantics = [#tpu.dimension_semantics<parallel>, #tpu.dimension_semantics<arbitrary>], iteration_bounds = array<i64: 50, 27>, scalar_prefetch = 0 : i64, scratch_operands = 0 : i64, tpu.core_type = #tpu.core_type<tc>, window_params = [{transform_indices = @transform_0, window_bounds = array<i64: 1, 2048, 32>}, {transform_indices = @transform_1, window_bounds = array<i64: 1, 32, 32>}, {pipeline_mode = #tpu.pipeline_mode<synchronous>, transform_indices = @transform_2, window_bounds = array<i64: 1, 32>}, {transform_indices = @transform_3, window_bounds = array<i64: 2048, 32>}]} {
    %eq3A = arith.constant 0 : i32
    %eq3A_0 = arith.cmpi eq, %arg1, %eq3A : i32
    %convert_element_type3A = arith.extui %eq3A_0 : i1 to i32
    %cond3A = arith.constant 0 : i32
    %cond3A_1 = arith.cmpi ne, %convert_element_type3A, %cond3A : i32
    scf.if %cond3A_1 {
      %get3A_18 = arith.constant 0 : index
      %get3A_19 = arith.constant 0 : index
      %get3A_20 = vector.load %arg4[%get3A_18, %get3A_19] : memref<1x32xf32, #tpu.memory_space<vmem>>, vector<1x32xf32>
      %broadcast_in_dim3A = vector.shape_cast %get3A_20 : vector<1x32xf32> to vector<1x32xf32>
      %broadcast_in_dim3A_21 = vector.broadcast %broadcast_in_dim3A : vector<1x32xf32> to vector<2048x32xf32>
      %swap3A_22 = arith.constant 0 : index
      %swap3A_23 = arith.constant 0 : index
      %swap3A_24 = vector.load %arg5[%swap3A_22, %swap3A_23] : memref<2048x32xf32, #tpu.memory_space<vmem>>, vector<2048x32xf32>
      tpu.vector_store %arg5[%swap3A_22, %swap3A_23], %broadcast_in_dim3A_21 {strides = array<i32>} : memref<2048x32xf32, #tpu.memory_space<vmem>>, vector<2048x32xf32>,
    } else {
    }
    %get3A = arith.constant 0 : index
    %get3A_2 = arith.constant 0 : index
    %get3A_3 = vector.load %arg5[%get3A, %get3A_2] : memref<2048x32xf32, #tpu.memory_space<vmem>>, vector<2048x32xf32>
    %get3A_4 = arith.constant 0 : index
    %get3A_5 = arith.constant 0 : index
    %get3A_6 = arith.constant 0 : index
    %get3A_7 = vector.load %arg2[%get3A_4, %get3A_5, %get3A_6] : memref<1x2048x32xbf16, #tpu.memory_space<vmem>>, vector<1x2048x32xbf16>
    %get3A_8 = vector.shape_cast %get3A_7 : vector<1x2048x32xbf16> to vector<2048x32xbf16>
    %convert_element_type3A_9 = arith.extf %get3A_8 : vector<2048x32xbf16> to vector<2048x32xf32>
    %get3A_10 = arith.constant 0 : index
    %get3A_11 = arith.constant 0 : index
    %get3A_12 = arith.constant 0 : index
    %get3A_13 = vector.load %arg3[%get3A_10, %get3A_11, %get3A_12] : memref<1x32x32xf32, #tpu.memory_space<vmem>>, vector<1x32x32xf32>
    %get3A_14 = vector.shape_cast %get3A_13 : vector<1x32x32xf32> to vector<32x32xf32>
    %dot_general3A = arith.constant dense<0.000000e+00> : vector<2048x32xf32>
    %dot_general3A_15 = tpu.matmul %convert_element_type3A_9, %get3A_14, %dot_general3A {dimension_numbers = #tpu.dot_dimension_numbers<[1], [0], [0], [1], [0, 0, 1, 1], [], []>, transpose_lhs_hint = false} : vector<2048x32xf32>, vector<32x32xf32>, vector<2048x32xf32> -> vector<2048x32xf32>
    %add3A = arith.addf %get3A_3, %dot_general3A_15 : vector<2048x32xf32>
    %swap3A = arith.constant 0 : index
    %swap3A_16 = arith.constant 0 : index
    %swap3A_17 = vector.load %arg5[%swap3A, %swap3A_16] : memref<2048x32xf32, #tpu.memory_space<vmem>>, vector<2048x32xf32>
    tpu.vector_store %arg5[%swap3A, %swap3A_16], %add3A {strides = array<i32>} : memref<2048x32xf32, #tpu.memory_space<vmem>>, vector<2048x32xf32>,
    return
  }
  func.func @transform_0(%arg0: i32, %arg1: i32) -> (i32, i32, i32) {
    %c0_i32 = arith.constant 0 : i32
    %c0_i32_0 = arith.constant 0 : i32
    return %arg1, %arg0, %c0_i32 : i32, i32, i32
  }
  func.func @transform_1(%arg0: i32, %arg1: i32) -> (i32, i32, i32) {
    %c0_i32 = arith.constant 0 : i32
    %c0_i32_0 = arith.constant 0 : i32
    %c0_i32_1 = arith.constant 0 : i32
    return %arg1, %c0_i32, %c0_i32_0 : i32, i32, i32
  }
  func.func @transform_2(%arg0: i32, %arg1: i32) -> (i32, i32) {
    %c0_i32 = arith.constant 0 : i32
    %c0_i32_0 = arith.constant 0 : i32
    %c0_i32_1 = arith.constant 0 : i32
    return %c0_i32, %c0_i32_0 : i32, i32
  }
  func.func @transform_3(%arg0: i32, %arg1: i32) -> (i32, i32) {
    %c0_i32 = arith.constant 0 : i32
    %c0_i32_0 = arith.constant 0 : i32
    return %arg0, %c0_i32 : i32, i32
  }
}

</mosaic_0001>

<sc_bundles>
// kernel: gather_offload_async_start
scs
__scs_entry_jumppad:
0x0: {  	(pc) =	sbr.rel $0x88, $3  }
0x1: {  	(tag) =	ssettag $0x0;
	lr =	simm.s32 $0x1  }
0x2: {  	[smem:$0x3F9D] =	sst lr;
	_ =	strace $0xD0000000  }
0x3: {  	_ = 	snop  }
0x4: {  	_ = 	snop  }
0x5: {  	_ = 	snop  }
0x6: {  	_ = 	snop  }
0x7: {  	_ = 	snop  }
__scs_overlays_trampoline_lowered:
0x8: {  	[smem:$0x3FAC] =	sst s0  }
0x9: {  	[smem:$0x3FAD] =	sst s1  }
0xa: {  	[smem:$0x3FAE] =	sst s2  }
0xb: {  	[smem:$0x3FAF] =	sst s3  }
0xc: {  	[smem:$0x3FB0] =	sst s4  }
0xd: {  	[smem:$0x3FB1] =	sst s5  }
0xe: {  	[smem:$0x3FB2] =	sst s6  }
0xf: {  	[smem:$0x3FB3] =	sst s7  }
0x10: {  	[smem:$0x3FB4] =	sst s8  }
0x11: {  	[smem:$0x3FB5] =	sst s9;
	s0 =	simm.s32 @!p0 $0x0  }
0x12: {  	s1 =	sld [smem:$0x3F9B];
	s0 =	simm.s32 @p0 $0x1  }
0x13: {  	[smem:$0x3FB6] =	sst s0;
	s0 =	simm.s32 @!p1 $0x0  }
0x14: {  	s2 =	sld [smem:$0x3F9A];
	s0 =	simm.s32 @p1 $0x1  }
0x15: {  	[smem:$0x3FB7] =	sst s0;
	s0 =	simm.s32 @!p2 $0x0  }
0x16: {  	s3 =	sld [smem:$0x3FDB];
	s0 =	simm.s32 @p2 $0x1  }
0x17: {  	s4 =	simm.s32 $0x1BF5;
	[smem:$0x3FB9] =	sst s0  }
0x18: {  	s0 =	sld [smem:$0x3F9C];
	_ =	swait.ge [sflag:s4], $0x0  }
0x19: {  	s7 =	sld [smem:$0x3F9D]  }
0x1a: {  	s8 =	sadd.s32 $0xFFFFE003, lr  }
0x1b: {  	s9 =	sadd.s32 $0xFFFFFEF7, lr;
	s5 =	simm.s32 $0xFFFFFFFF;
	p2 =	slt.u32 s8, $0xFFFFF086  }
0x1c: {  	p1 =	slt.u32 s9, $0xF7A;
	s5 =	simm.s32 @!p2 $0x0  }
0x1d: {  	s5 =	simm.s32 @p1 $0x1;
	p0 =	seq.s32 s7, s2  }
0x1e: {  	s7 =	smul.u32 @!p0 $0xF7A, s2;
	p2 =	seq.s32 @!p0 s5, $0x0  }
0x1f: {  	s9 =	smul.u32 $0xF7A, s1;
	s8 =	simm.s32 @!p0 $0x1BF5;
	p2 =	por !p2, p0  }
0x20: {  	[sflag:s8] =	ssyncset.s32 @!p0 $0xFFFFF086;
	s6 =	sadd.s32 @!p0 s3, s7;
	s7 =	simm.s32 @!p0 $0x108  }
0x21: {  	s3 =	sadd.s32 s3, s9;
	s6 =	sadd.s32 @!p0 $0x88, s6;
	s7 =	simm.s32 @p2 $0x1082  }
0x22: {  	[simem:s7], [sflag:s8] =	dma.local @!p0 [hbm:s6], $0xF7A  }
0x23: {  	s9 =	sor.u32 $0xD0000000, s2;
	s6 =	simm.s32 $0x108;
	_ =	swait.ge @!p0 [sflag:s8], $0x0  }
0x24: {  	s3 =	sadd.s32 $0x88, s3;
	s6 =	simm.s32 @!p1 $0x1082;
	[sflag:s4] =	ssyncset.s32 $0xFFFFF086  }
0x25: {  	[simem:s6], [sflag:s4] =	dma.local [hbm:s3], $0xF7A  }
0x26: {  	[smem:$0x3F9D] =	sst s1;
	(tag) =	ssettag s2;
	_ =	strace s9  }
0x27: {  	s1 =	sld [smem:$0x3FAD]  }
0x28: {  	s2 =	sld [smem:$0x3FAE]  }
0x29: {  	s4 =	sld [smem:$0x3FB0]  }
0x2a: {  	p0 =	seq.s32 s5, $0x0;
	s5 =	sld [smem:$0x3FB1]  }
0x2b: {  	s6 =	sld [smem:$0x3FB2]  }
0x2c: {  	s7 =	sld [smem:$0x3FB3]  }
0x2d: {  	s3 =	simm.s32 $0x108;
	s8 =	sld [smem:$0x3FB4]  }
0x2e: {  	s3 =	simm.s32 @!p0 $0x1082;
	s9 =	sld [smem:$0x3FB5]  }
0x2f: {  	lr =	sadd.s32 s0, s3;
	s0 =	sld [smem:$0x3FAC]  }
0x30: {  	s3 =	sld [smem:$0x3FAF]  }
0x31: {  	[smem:$0x3FB8] =	sst s10  }
0x32: {  	s10 =	sld [smem:$0x3FB6];
	_ =	sdelay $0x3  }
0x33: {  	p0 =	seq.s32 s10, $0x1;
	s10 =	sld [smem:$0x3FB8];
	_ =	sdelay $0x3  }
0x34: {  	[smem:$0x3FB8] =	sst s10  }
0x35: {  	s10 =	sld [smem:$0x3FB7];
	_ =	sdelay $0x3  }
0x36: {  	p1 =	seq.s32 s10, $0x1;
	s10 =	sld [smem:$0x3FB8];
	_ =	sdelay $0x3  }
0x37: {  	[smem:$0x3FB8] =	sst s10  }
0x38: {  	s10 =	sld [smem:$0x3FB9]  }
0x39: {  	_ = 	snop;
	(pc) =	sbr.ind lr, $3  }
0x3a: {  	_ = 	snop  }
0x3b: {  	_ = 	snop  }
0x3c: {  	p2 =	seq.s32 s10, $0x1;
	s10 =	sld [smem:$0x3FB8]  }
0x3d: {  	_ =	shalt  }
0x3e: {  	_ =	shalt  }
0x3f: {  	_ =	shalt  }
0x40: {  	_ =	shalt  }
0x41: {  	_ =	shalt  }
0x42: {  	_ =	shalt  }
0x43: {  	_ =	shalt  }
0x44: {  	_ =	shalt  }
0x45: {  	_ =	shalt  }
0x46: {  	_ =	shalt  }
0x47: {  	_ =	shalt  }
0x48: {  	_ =	shalt  }
0x49: {  	_ =	shalt  }
0x4a: {  	_ =	shalt  }
0x4b: {  	_ =	shalt  }
0x4c: {  	_ =	shalt  }
0x4d: {  	_ =	shalt  }
0x4e: {  	_ =	shalt  }
0x4f: {  	_ =	shalt  }
0x50: {  	_ =	shalt  }
0x51: {  	_ =	shalt  }
0x52: {  	_ =	shalt  }
0x53: {  	_ =	shalt  }
0x54: {  	_ =	shalt  }
0x55: {  	_ =	shalt  }
0x56: {  	_ =	shalt  }
0x57: {  	_ =	shalt  }
0x58: {  	_ =	shalt  }
0x59: {  	_ =	shalt  }
0x5a: {  	_ =	shalt  }
0x5b: {  	_ =	shalt  }
0x5c: {  	_ =	shalt  }
0x5d: {  	_ =	shalt  }
0x5e: {  	_ =	shalt  }
0x5f: {  	_ =	shalt  }
0x60: {  	_ =	shalt  }
0x61: {  	_ =	shalt  }
0x62: {  	_ =	shalt  }
0x63: {  	_ =	shalt  }
0x64: {  	_ =	shalt  }
0x65: {  	_ =	shalt  }
0x66: {  	_ =	shalt  }
0x67: {  	_ =	shalt  }
0x68: {  	_ =	shalt  }
0x69: {  	_ =	shalt  }
0x6a: {  	_ =	shalt  }
0x6b: {  	_ =	shalt  }
0x6c: {  	_ =	shalt  }
0x6d: {  	_ =	shalt  }
0x6e: {  	_ =	shalt  }
0x6f: {  	_ =	shalt  }
0x70: {  	_ =	shalt  }
0x71: {  	_ =	shalt  }
0x72: {  	_ =	shalt  }
0x73: {  	_ =	shalt  }
0x74: {  	_ =	shalt  }
0x75: {  	_ =	shalt  }
0x76: {  	_ =	shalt  }
0x77: {  	_ =	shalt  }
0x78: {  	_ =	shalt  }
0x79: {  	_ =	shalt  }
0x7a: {  	_ =	shalt  }
0x7b: {  	_ =	shalt  }
0x7c: {  	_ =	shalt  }
0x7d: {  	_ =	shalt  }
0x7e: {  	_ =	shalt  }
0x7f: {  	_ =	shalt  }
0x80: {  	_ =	shalt  }
0x81: {  	_ =	shalt  }
0x82: {  	_ =	shalt  }
0x83: {  	_ =	shalt  }
0x84: {  	_ =	shalt  }
0x85: {  	_ =	shalt  }
0x86: {  	_ =	shalt  }
0x87: {  	_ =	shalt  }
.Lfunc_end0:
.L_simem_size_0:
called_computation_lowered:
.L_overlay_start_0:
0x88: {  	s2 =	sld [smem:$0x3FD9]  }
0x89: {  	s3 =	sld [smem:$0x3FFE];
	_ =	sdelay $0x1  }
0x8a: {  	s1 =	srdreg.scid  }
0x8b: {  	s0 =	sand.u32 $0x1, s1  }
0x8c: {  	s16 =	sshll.u32 s0, $0xA;
	s2 =	sadd.s32 s3, s2  }
0x8d: {  	s2 =	sadd.s32 s2, s16  }
0x8e: {  	[smem:$0x3FC4] =	sst s2  }
0x8f: {  	_ = 	snop  }
0x90: {  	(tm) =	ssettm $0x1  }
0x91: {  	s17 =	sld [smem:$0x3FFB];
	_ =	sdelay $0x3  }
0x92: {  	_ =	strace s17  }
0x93: {  	s2 =	sld [smem:$0x3FFC];
	_ =	sdelay $0x3  }
0x94: {  	_ =	strace s2  }
0x95: {  	s2 =	sld [smem:$0x3FFD];
	_ =	sdelay $0x3  }
0x96: {  	_ =	strace s2  }
0x97: {  	_ =	strace $0x8FFFFFFF  }
0x98: {  	s18 =	sld [smem:$0x3FDB];
	_ =	sdelay $0x1  }
0x99: {  	s19 =	simm.s32 $_scs_section_size  }
0x9a: {  	s4 =	simm.s32 $_size__tile_overlayer_lowered;
	s5 =	simm.s32 $_tile_overlayer_lowered  }
0x9b: {  	s22 =	simm.s32 $0x1BFF;
	s21 =	sshll.u32 s5, $0x1;
	s2 =	sadd.s32 s19, s18  }
0x9c: {  	s6 =	simm.s32 $0x0;
	s20 =	sshll.u32 s4, $0x1;
	s4 =	sadd.s32 s21, s2  }
0x9d: {  	[timem:s6], [sflag:s22] =	dma.local [hbm:s4], s20  }
0x9e: {  	_ =	swait.ge [sflag:s22], s20  }
0x9f: {  	s3 =	ssub.s32 $0x0, s20;
	[sflag:s22] =	ssyncset.done $0x0  }
0xa0: {  	[sflag:s22] =	ssyncadd.s32 s3;
	_ =	sdelay $0x1  }
0xa1: {  	s23 =	simm.s32 $0x1B8B  }
0xa2: {  	_ =	swait.ge [sflag:s23], $0x1  }
0xa3: {  	[sflag:s23] =	ssyncset.done $0x0  }
0xa4: {  	s25 =	simm.s32 $0x1B8E;
	s24 =	sld [smem:$0x3FFE];
	[sflag:s23] =	ssyncadd.s32 $0xFFFFFFFF  }
0xa5: {  	s26 =	simm.s32 $execute0_lowered;
	[smem:$0x3FD2] =	sst s25  }
0xa6: {  	s4 =	sshll.u32 s26, $0x1;
	_ =	strace $0x80000046;
	[dreg:$0x1] =	wrdreg $0xFFFFFFFF  }
0xa7: {  	s28 =	simm.s32 $_size_execute0_lowered;
	s2 =	sadd.s32 s2, s4;
	[dreg:$0x0] =	wrdreg $0x0  }
0xa8: {  	s4 =	sshll.u32 s28, $0x1;
	[dreg:$0x2] =	wrdreg s2  }
0xa9: {  	[dreg:$0x3] =	wrdreg s4  }
0xaa: {  	[dreg:$0x4] =	wrdreg $0xC0  }
0xab: {  	_ =	task [dreg:s6], $0x5FFFF  }
0xac: {  	[dreg:$0x1] =	wrdreg $0xFFFFFFFF  }
0xad: {  	[dreg:$0x0] =	wrdreg $0x60  }
0xae: {  	[dreg:$0x2] =	wrdreg s24  }
0xaf: {  	[dreg:$0x3] =	wrdreg $0x9  }
0xb0: {  	_ =	task.clear_ibuf [dreg:s6], $0x4FFFF;
	_ =	strace $0x90000046  }
0xb1: {  	s29 =	simm.s32 $0x9;
	_ =	strace $0x80000048  }
0xb2: {  	_ =	swait.ge [sflag:s29], $0x1  }
0xb3: {  	[sflag:s29] =	ssyncadd.s32 $0xFFFFFFFF  }
0xb4: {  	_ =	strace $0x90000048  }
0xb5: {  	_ =	sfence  }
0xb6: {  	s30 =	sld [smem:$0x0];
	_ =	sdelay $0x2  }
0xb7: {  	s31 =	sshll.u32 s1, $0xD;
	s1 =	sshrl.u32 s1, $0x2  }
0xb8: {  	s3 =	sand.u32 $0x4000, s31;
	s1 =	sadd.s32 s1, s30  }
0xb9: {  	s0 =	sor.u32 s3, s0;
	s1 =	sshll.u32 s1, $0x11  }
0xba: {  	s0 =	sor.u32 s1, s0  }
0xbb: {  	s0 =	sadd.s32 $0x8F2B, s0  }
0xbc: {  	[sflag:s0] =	ssyncadd.remote.s32 $0x1  }
0xbd: {  	_ =	sfence.sel $0xFFFF  }
0xbe: {  	[dreg:$0x0] =	wrdreg $0xFFFFFFFF;
	(pc) =	sbr.abs _section_cstart, $3  }
0xbf: {  	[dreg:$0x1] =	wrdreg $0xFFFFFFFF  }
0xc0: {  	_ =	task.clear_ibuf [dreg:s6], $0x2FFFF;
	_ =	strace $0x9FFFFFFF  }
0xc1: {  	(tm) =	ssettm $0x7FFFFFFF  }
tec
execute0_lowered:
.L_overlay_start_1:
0x0: {  	(tag) =	ssettag $0x1  }
0x1: {  	s2 =	rddreg [dreg:$0x0]  }
0x2: {  	s0 =	rddreg [dreg:$0x1];
	s1 =	stileid.u32  }
0x3: {  	s3 =	srdreg.scid;
	_ =	strace $0x80000047;
	s4 =	simm.s32 $0x1  }
0x4: {  	s7 =	simm.s32 $0x1;
	s8 =	simm.s32 $0x1;
	s9 =	simm.s32 $0x3  }
0x5: {  	s10 =	simm.s32 $0x0;
	s5 =	sand.u32 $0x1, s3;
	s6 =	sshll.u32 s1, $0x1  }
0x6: {  	s13 =	simm.s32 $0x0;
	s12 =	simm.s32 $0x0;
	s5 =	sor.u32 s6, s5  }
.Ltmp0:
0x7: {  	[sflag:s4] =	ssyncpa.u1 $0x0;
	p0 =	slt.u32 s5, $0x13;
	(pc) =	sbr.rel .LBB2_1-.Ltmp0, $4  }
0x8: {  	s6 =	simm.s32 $0x2;
	s7 =	simm.s32 @!p0 $0x0;
	p0 =	sne.s32 s5, $0x12  }
0x9: {  	[sflag:s6] =	ssyncpa.u1 $0x0;
	s5 =	smul.u32 $0x7D0, s5;
	s8 =	simm.s32 @!p0 $0x0  }
0xa: {  	s3 =	sadd.s32 $0x3200, s2;
	[sflag:s9] =	ssyncpa.u1 $0x0;
	s7 =	sadd.s32 s8, s7  }
0xb: {  	vm0 =	vmmov $0xffff;
	s8 =	sadd.s32 $0x3A400, s2;
	s11 =	smov.u32 s5;
	s9 =	sadd.s32 $0x1, s7  }
.LBB2_4:
0xc: {  	v2 =	vnsel vm1, $0x0, v2  }
0xd: {  	vm1 =	vgt.s32 v0, $0x0;
	v2 =	vmin.u32 v2, $0x1869F  }
0xe: {  	v0 =	vnsel vm1, $0x0, v0  }
0xf: {  	v0 =	vmin.u32 v0, $0x1869F  }
0x10: {  	[tilespmem:s18], [sflag:$0x1] =	stream.indirect_vreg.gather [hbm4b:s2+s10], $0x1, v1, vm0, $0x4038;
	[tilespmem:$0x1F40] =	vst v63  }
0x11: {  	(ifvalue) =	ssetifvalue $0x7FFFFFFF  }
0x12: {  	[tilespmem:s15], [sflag:$0x1] =	stream.indirect_vreg.gather [hbm4b:s2+s10], $0x1, v2, vm0, $0x4038;
	[tilespmem:$0x1F40] =	vst v63  }
0x13: {  	s29 =	sadd.s32 $0x10, s15;
	(ifvalue) =	ssetifvalue $0x7FFFFFFF  }
0x14: {  	[tilespmem:s29], [sflag:$0x1] =	stream.indirect_vreg.gather [hbm4b:s2+s10], $0x1, v0, vm0, $0x4038;
	[tilespmem:$0x1F40] =	vst v63  }
0x15: {  	_ =	swait.ge [sflag:s4], $0x7D0  }
0x16: {  	s30 =	sshrl.u32 s13, $0x3;
	[sflag:s4] =	ssyncset.done $0x0  }
0x17: {  	s31 =	sand.u32 $0x7, s13;
	s15 =	sadd.s32 s8, s30;
	[sflag:s4] =	ssyncadd.s32 $0xFFFFF830  }
0x18: {  	[hbm4b:s15+s31] =	stream.linear.scatter [tilespmem:s14], [sflag:$0x3], $0x7D0, $0x38;
	[tilespmem:$0x1F40] =	vst v63  }
.LBB2_5:
0x19: {  	s15 =	sadd.s32 $0xFA00, s11  }
0x1a: {  	p1 =	sgt.s32 s15, $0x1869F  }
0x1b: {  	s15 =	smov.u32 @p1 s5;
	p1 =	sne.s32 s12, s9  }
.Ltmp1:
0x1c: {  	p0 =	slt.u32 s12, $0x2;
	(pc) =	sbr.rel @!p1 .LBB2_6-.Ltmp1, $4  }
0x1d: {  	s14 =	simm.s32 @!p0 $0x3  }
0x1e: {  	_ =	swait.ge @!p0 [sflag:s14], $0x7D0  }
0x1f: {  	s16 =	sadd.s32 $0x1, s12;
	s13 =	smov.u32 s11;
	[sflag:s14] =	ssyncset.done @!p0 $0x0  }
0x20: {  	s12 =	smov.u32 s16;
	s11 =	smov.u32 s15;
	[sflag:s14] =	ssyncadd.s32 @!p0 $0xFFFFF830  }
.LBB2_1:
0x21: {  	p0 =	sge.u32 s12, s7  }
0x22: {  	s14 =	sxor.u32 @!p0 $0x1, s12  }
0x23: {  	s14 =	smul.u32 @!p0 $0x1F40, s14  }
0x24: {  	s31 =	sadd.s32 $0xFFFFFFFF, s12;
	s15 =	sshrl.u32 @!p0 s11, $0x3  }
0x25: {  	s16 =	sand.u32 @!p0 $0x7, s11;
	s15 =	sadd.s32 @!p0 s3, s15;
	s14 =	sshra.s32 @!p0 s14, $0x2  }
0x26: {  	[tilespmem:s14], [sflag:$0x2] =	stream.linear.gather @!p0 [hbm4b:s15+s16], $0x7D0, $0x38;
	[tilespmem:$0x1F40] =	vst v63  }
0x27: {  	p0 =	sge.u32 s31, s7  }
.Ltmp2:
0x28: {  	_ = 	snop;
	(pc) =	sbr.rel @p0 .LBB2_5-.Ltmp2, $1  }
0x29: {  	_ =	sdelay $0x3  }
0x2a: {  	s14 =	sand.u32 $0x1, s12  }
0x2b: {  	_ =	swait.ge [sflag:s6], $0x7D0;
	p0 =	seq.s32 s14, $0x1;
	s14 =	simm.s32 $0x7D0  }
0x2c: {  	[sflag:s6] =	ssyncset.done $0x0;
	s14 =	simm.s32 @!p0 $0x0  }
0x2d: {  	[sflag:s6] =	ssyncadd.s32 $0xFFFFF830;
	(ifvalue) =	ssetifvalue $0x7FFFFFFF;
	v0 =	vld.msk [tilespmem:s14+$0x0 ss:$0x1], $0xffff;
	_ =	sdelay $0x4  }
0x2e: {  	s15 =	sadd.s32 $0x10, s14;
	vm1 =	vgt.s32 v0, $0x0  }
0x2f: {  	v2 =	vld.msk [tilespmem:s15+$0x0 ss:$0x1], $0xffff;
	v1 =	vnsel vm1, $0x0, v0  }
0x30: {  	v1 =	vmin.u32 v1, $0x1869F;
	_ =	sdelay $0x2  }
0x31: {  	s17 =	simm.s32 $0x20;
	s14 =	sadd.s32 $0xFA0, s14;
	s16 =	sadd.s32 $0x10, s15  }
0x32: {  	s15 =	sadd.s32 $0x10, s14;
	s18 =	smov.u32 s14;
	v0 =	vld.msk [tilespmem:s16+$0x0 ss:$0x1], $0xffff;
	vm1 =	vgt.s32 v2, $0x0;
	(ifvalue) =	ssetifvalue $0x7FFFFFFF  }
.LBB2_3:
0x33: {  	[tilespmem:s18], [sflag:$0x1] =	stream.indirect_vreg.gather [hbm4b:s2+s10], $0x1, v1, vm0, $0x4038;
	[tilespmem:$0x1F40] =	vst v63  }
0x34: {  	s17 =	sadd.s32 $0x10, s17  }
0x35: {  	v2 =	vnsel vm1, $0x0, v2;
	p0 =	slt.u32 s17, $0x7C0  }
.Ltmp3:
0x36: {  	s18 =	smov.u32 s15;
	v1 =	vmin.u32 v2, $0x1869F;
	(pc) =	sbr.rel @p0 .LBB2_3-.Ltmp3, $3  }
0x37: {  	_ =	sdelay $0x1  }
0x38: {  	s16 =	sadd.s32 $0x10, s16  }
0x39: {  	vm1 =	vgt.s32 v0, $0x0;
	s15 =	sadd.s32 $0x10, s15;
	v2 =	vmov v0;
	(ifvalue) =	ssetifvalue $0x7FFFFFFF;
	v0 =	vld.msk [tilespmem:s16+$0x0 ss:$0x1], $0xffff  }
.Ltmp4:
0x3a: {  	_ = 	snop;
	(pc) =	sbr.rel .LBB2_4-.Ltmp4, $1  }
0x3b: {  	_ =	sdelay $0x3  }
.LBB2_6:
0x3c: {  	_ =	sfence.sel $0x180000  }
0x3d: {  	s2 =	simm.s32 $0x2;
	[bflag:$0x0] =	sbarrier.arrive $0xFFFF  }
0x3e: {  	s30 =	simm.s32 $0x3;
	[sflag:s2] =	ssyncpa.u1 $0x1  }
0x3f: {  	s31 =	simm.s32 $0x1;
	[sflag:s30] =	ssyncpa.u1 $0x1  }
0x40: {  	[sflag:s31] =	ssyncpa.u1 $0x1  }
0x41: {  	p0 =	sne.s32 s1, $0x0;
	_ =	strace $0x90000047  }
0x42: {  	s0 =	sadd.s32 @!p0 $0x100000, s0;
	[bflag:$0x2] =	sbarrier.arrive $0xFFFF  }
0x43: {  	[sflag:s0] =	ssyncadd.tile.s32 @!p0 $0x1;
	_ =	shalt  }
.Lfunc_end2:
_tile_overlayer_lowered:
.L_overlay_start_2:
0x44: {  	(tag) =	ssettag $0x2  }
0x45: {  	s0 =	rddreg [dreg:$0x0];
	s2 =	stileid.u32  }
0x46: {  	s1 =	rddreg [dreg:$0x1];
	p0 =	sne.s32 s2, $0x0  }
0x47: {  	s3 =	rddreg [dreg:$0x2];
	[bflag:$0x3] =	sbarrier.arrive $0xFFFF;
	s2 =	simm.s32 @!p0 $0x1C01  }
0x48: {  	[timem:s3], [sflag:s2] =	dma.local @!p0 [hbm:s0], s1  }
0x49: {  	s0 =	simm.s32 @!p0 $0x1  }
0x4a: {  	_ =	swait.ge @!p0 [sflag:s0], s1  }
0x4b: {  	s1 =	ssub.s32 @!p0 $0x0, s1;
	[sflag:s0] =	ssyncset.done @!p0 $0x0  }
0x4c: {  	[sflag:s0] =	ssyncadd.s32 @!p0 s1  }
0x4d: {  	[bflag:$0x3] =	sbarrier.arrive $0xFFFF  }
0x4e: {  	_ =	shalt  }

// kernel: kernel.5.cloned.1.call-start
scs
__scs_entry_jumppad:
0x0: {  	(pc) =	sbr.rel $0x88, $3  }
0x1: {  	(tag) =	ssettag $0x0;
	lr =	simm.s32 $0x1  }
0x2: {  	[smem:$0x3F9D] =	sst lr;
	_ =	strace $0xD0000000  }
0x3: {  	_ = 	snop  }
0x4: {  	_ = 	snop  }
0x5: {  	_ = 	snop  }
0x6: {  	_ = 	snop  }
0x7: {  	_ = 	snop  }
__scs_overlays_trampoline_lowered:
0x8: {  	[smem:$0x3FAC] =	sst s0  }
0x9: {  	[smem:$0x3FAD] =	sst s1  }
0xa: {  	[smem:$0x3FAE] =	sst s2  }
0xb: {  	[smem:$0x3FAF] =	sst s3  }
0xc: {  	[smem:$0x3FB0] =	sst s4  }
0xd: {  	[smem:$0x3FB1] =	sst s5  }
0xe: {  	[smem:$0x3FB2] =	sst s6  }
0xf: {  	[smem:$0x3FB3] =	sst s7  }
0x10: {  	[smem:$0x3FB4] =	sst s8  }
0x11: {  	[smem:$0x3FB5] =	sst s9;
	s0 =	simm.s32 @!p0 $0x0  }
0x12: {  	s1 =	sld [smem:$0x3F9B];
	s0 =	simm.s32 @p0 $0x1  }
0x13: {  	[smem:$0x3FB6] =	sst s0;
	s0 =	simm.s32 @!p1 $0x0  }
0x14: {  	s2 =	sld [smem:$0x3F9A];
	s0 =	simm.s32 @p1 $0x1  }
0x15: {  	[smem:$0x3FB7] =	sst s0;
	s0 =	simm.s32 @!p2 $0x0  }
0x16: {  	s3 =	sld [smem:$0x3FDB];
	s0 =	simm.s32 @p2 $0x1  }
0x17: {  	s4 =	simm.s32 $0x1BF5;
	[smem:$0x3FB9] =	sst s0  }
0x18: {  	s0 =	sld [smem:$0x3F9C];
	_ =	swait.ge [sflag:s4], $0x0  }
0x19: {  	s7 =	sld [smem:$0x3F9D]  }
0x1a: {  	s8 =	sadd.s32 $0xFFFFE003, lr  }
0x1b: {  	s9 =	sadd.s32 $0xFFFFFEF7, lr;
	s5 =	simm.s32 $0xFFFFFFFF;
	p2 =	slt.u32 s8, $0xFFFFF086  }
0x1c: {  	p1 =	slt.u32 s9, $0xF7A;
	s5 =	simm.s32 @!p2 $0x0  }
0x1d: {  	s5 =	simm.s32 @p1 $0x1;
	p0 =	seq.s32 s7, s2  }
0x1e: {  	s7 =	smul.u32 @!p0 $0xF7A, s2;
	p2 =	seq.s32 @!p0 s5, $0x0  }
0x1f: {  	s9 =	smul.u32 $0xF7A, s1;
	s8 =	simm.s32 @!p0 $0x1BF5;
	p2 =	por !p2, p0  }
0x20: {  	[sflag:s8] =	ssyncset.s32 @!p0 $0xFFFFF086;
	s6 =	sadd.s32 @!p0 s3, s7;
	s7 =	simm.s32 @!p0 $0x108  }
0x21: {  	s3 =	sadd.s32 s3, s9;
	s6 =	sadd.s32 @!p0 $0x88, s6;
	s7 =	simm.s32 @p2 $0x1082  }
0x22: {  	[simem:s7], [sflag:s8] =	dma.local @!p0 [hbm:s6], $0xF7A  }
0x23: {  	s9 =	sor.u32 $0xD0000000, s2;
	s6 =	simm.s32 $0x108;
	_ =	swait.ge @!p0 [sflag:s8], $0x0  }
0x24: {  	s3 =	sadd.s32 $0x88, s3;
	s6 =	simm.s32 @!p1 $0x1082;
	[sflag:s4] =	ssyncset.s32 $0xFFFFF086  }
0x25: {  	[simem:s6], [sflag:s4] =	dma.local [hbm:s3], $0xF7A  }
0x26: {  	[smem:$0x3F9D] =	sst s1;
	(tag) =	ssettag s2;
	_ =	strace s9  }
0x27: {  	s1 =	sld [smem:$0x3FAD]  }
0x28: {  	s2 =	sld [smem:$0x3FAE]  }
0x29: {  	s4 =	sld [smem:$0x3FB0]  }
0x2a: {  	p0 =	seq.s32 s5, $0x0;
	s5 =	sld [smem:$0x3FB1]  }
0x2b: {  	s6 =	sld [smem:$0x3FB2]  }
0x2c: {  	s7 =	sld [smem:$0x3FB3]  }
0x2d: {  	s3 =	simm.s32 $0x108;
	s8 =	sld [smem:$0x3FB4]  }
0x2e: {  	s3 =	simm.s32 @!p0 $0x1082;
	s9 =	sld [smem:$0x3FB5]  }
0x2f: {  	lr =	sadd.s32 s0, s3;
	s0 =	sld [smem:$0x3FAC]  }
0x30: {  	s3 =	sld [smem:$0x3FAF]  }
0x31: {  	[smem:$0x3FB8] =	sst s10  }
0x32: {  	s10 =	sld [smem:$0x3FB6];
	_ =	sdelay $0x3  }
0x33: {  	p0 =	seq.s32 s10, $0x1;
	s10 =	sld [smem:$0x3FB8];
	_ =	sdelay $0x3  }
0x34: {  	[smem:$0x3FB8] =	sst s10  }
0x35: {  	s10 =	sld [smem:$0x3FB7];
	_ =	sdelay $0x3  }
0x36: {  	p1 =	seq.s32 s10, $0x1;
	s10 =	sld [smem:$0x3FB8];
	_ =	sdelay $0x3  }
0x37: {  	[smem:$0x3FB8] =	sst s10  }
0x38: {  	s10 =	sld [smem:$0x3FB9]  }
0x39: {  	_ = 	snop;
	(pc) =	sbr.ind lr, $3  }
0x3a: {  	_ = 	snop  }
0x3b: {  	_ = 	snop  }
0x3c: {  	p2 =	seq.s32 s10, $0x1;
	s10 =	sld [smem:$0x3FB8]  }
0x3d: {  	_ =	shalt  }
0x3e: {  	_ =	shalt  }
0x3f: {  	_ =	shalt  }
0x40: {  	_ =	shalt  }
0x41: {  	_ =	shalt  }
0x42: {  	_ =	shalt  }
0x43: {  	_ =	shalt  }
0x44: {  	_ =	shalt  }
0x45: {  	_ =	shalt  }
0x46: {  	_ =	shalt  }
0x47: {  	_ =	shalt  }
0x48: {  	_ =	shalt  }
0x49: {  	_ =	shalt  }
0x4a: {  	_ =	shalt  }
0x4b: {  	_ =	shalt  }
0x4c: {  	_ =	shalt  }
0x4d: {  	_ =	shalt  }
0x4e: {  	_ =	shalt  }
0x4f: {  	_ =	shalt  }
0x50: {  	_ =	shalt  }
0x51: {  	_ =	shalt  }
0x52: {  	_ =	shalt  }
0x53: {  	_ =	shalt  }
0x54: {  	_ =	shalt  }
0x55: {  	_ =	shalt  }
0x56: {  	_ =	shalt  }
0x57: {  	_ =	shalt  }
0x58: {  	_ =	shalt  }
0x59: {  	_ =	shalt  }
0x5a: {  	_ =	shalt  }
0x5b: {  	_ =	shalt  }
0x5c: {  	_ =	shalt  }
0x5d: {  	_ =	shalt  }
0x5e: {  	_ =	shalt  }
0x5f: {  	_ =	shalt  }
0x60: {  	_ =	shalt  }
0x61: {  	_ =	shalt  }
0x62: {  	_ =	shalt  }
0x63: {  	_ =	shalt  }
0x64: {  	_ =	shalt  }
0x65: {  	_ =	shalt  }
0x66: {  	_ =	shalt  }
0x67: {  	_ =	shalt  }
0x68: {  	_ =	shalt  }
0x69: {  	_ =	shalt  }
0x6a: {  	_ =	shalt  }
0x6b: {  	_ =	shalt  }
0x6c: {  	_ =	shalt  }
0x6d: {  	_ =	shalt  }
0x6e: {  	_ =	shalt  }
0x6f: {  	_ =	shalt  }
0x70: {  	_ =	shalt  }
0x71: {  	_ =	shalt  }
0x72: {  	_ =	shalt  }
0x73: {  	_ =	shalt  }
0x74: {  	_ =	shalt  }
0x75: {  	_ =	shalt  }
0x76: {  	_ =	shalt  }
0x77: {  	_ =	shalt  }
0x78: {  	_ =	shalt  }
0x79: {  	_ =	shalt  }
0x7a: {  	_ =	shalt  }
0x7b: {  	_ =	shalt  }
0x7c: {  	_ =	shalt  }
0x7d: {  	_ =	shalt  }
0x7e: {  	_ =	shalt  }
0x7f: {  	_ =	shalt  }
0x80: {  	_ =	shalt  }
0x81: {  	_ =	shalt  }
0x82: {  	_ =	shalt  }
0x83: {  	_ =	shalt  }
0x84: {  	_ =	shalt  }
0x85: {  	_ =	shalt  }
0x86: {  	_ =	shalt  }
0x87: {  	_ =	shalt  }
.Lfunc_end0:
.L_simem_size_0:
called_computation.1_lowered:
.L_overlay_start_0:
0x88: {  	s2 =	sld [smem:$0x3FD9]  }
0x89: {  	s3 =	sld [smem:$0x3FFE];
	_ =	sdelay $0x1  }
0x8a: {  	s1 =	srdreg.scid  }
0x8b: {  	s0 =	sand.u32 $0x1, s1  }
0x8c: {  	s17 =	sshll.u32 s0, $0xA;
	s2 =	sadd.s32 s3, s2  }
0x8d: {  	s2 =	sadd.s32 s2, s17  }
0x8e: {  	[smem:$0x3FC4] =	sst s2  }
0x8f: {  	_ = 	snop  }
0x90: {  	s18 =	sld [smem:$0x3FD0];
	(tm) =	ssettm $0x1  }
0x91: {  	s19 =	sld [smem:$0x3FFB];
	_ =	sdelay $0x3  }
0x92: {  	_ =	strace s19  }
0x93: {  	s2 =	sld [smem:$0x3FFC];
	_ =	sdelay $0x3  }
0x94: {  	_ =	strace s2  }
0x95: {  	s2 =	sld [smem:$0x3FFD];
	_ =	sdelay $0x3  }
0x96: {  	_ =	strace s2  }
0x97: {  	_ =	strace $0x8FFFFFFF  }
0x98: {  	s20 =	sld [smem:$0x3FDB];
	_ =	sdelay $0x1  }
0x99: {  	s4 =	simm.s32 $_scs_section_size  }
0x9a: {  	s5 =	simm.s32 $_size__tile_overlayer_lowered;
	s6 =	simm.s32 $_tile_overlayer_lowered  }
0x9b: {  	s7 =	simm.s32 $0x1BFF;
	s21 =	sshll.u32 s6, $0x1;
	s4 =	sadd.s32 s4, s20  }
0x9c: {  	s22 =	simm.s32 $0x0;
	s5 =	sshll.u32 s5, $0x1;
	s6 =	sadd.s32 s21, s4  }
0x9d: {  	[timem:s22], [sflag:s7] =	dma.local [hbm:s6], s5  }
0x9e: {  	_ =	swait.ge [sflag:s7], s5  }
0x9f: {  	s5 =	ssub.s32 $0x0, s5;
	[sflag:s7] =	ssyncset.done $0x0  }
0xa0: {  	[sflag:s7] =	ssyncadd.s32 s5;
	_ =	sdelay $0x1  }
0xa1: {  	s23 =	simm.s32 $0x1B8B  }
0xa2: {  	_ =	swait.ge [sflag:s23], $0x1  }
0xa3: {  	[sflag:s23] =	ssyncset.done $0x0  }
0xa4: {  	[sflag:s23] =	ssyncadd.s32 $0xFFFFFFFF  }
0xa5: {  	s5 =	sld [smem:$0x0]  }
0xa6: {  	s6 =	sand.u32 $0xFFFFFFFE, s1  }
0xa7: {  	p0 =	sne.s32 s1, s6  }
0xa8: {  	s6 =	sshll.u32 @p0 s6, $0xE  }
0xa9: {  	s6 =	sadd.s32 @p0 $0x11B8D, s6;
	s7 =	sshll.u32 @p0 s5, $0x11  }
0xaa: {  	s6 =	sor.u32 @p0 s7, s6  }
0xab: {  	[sflag:s6] =	ssyncadd.remote.s32 @p0 $0x1;
	_ =	sdelay $0x1  }
0xac: {  	s6 =	simm.s32 @p0 $0x1B8D  }
0xad: {  	_ =	swait.eq @p0 [sflag:s6], $0x1  }
0xae: {  	[sflag:s6] =	ssyncadd.s32 @p0 $0xFFFFFFFF  }
0xaf: {  	s7 =	sshll.u32 @!p0 s1, $0xE  }
0xb0: {  	s7 =	sor.u32 @!p0 $0x4000, s7;
	s6 =	simm.s32 @!p0 $0x1B8D  }
0xb1: {  	s5 =	sshll.u32 @!p0 s5, $0x11;
	s7 =	sadd.s32 @!p0 $0x11B8D, s7;
	_ =	swait.eq @!p0 [sflag:s6], $0x1  }
0xb2: {  	s5 =	sor.u32 @!p0 s5, s7;
	[sflag:s6] =	ssyncadd.s32 @!p0 $0xFFFFFFFF  }
0xb3: {  	s25 =	simm.s32 $0x1B8E;
	s24 =	sld [smem:$0x3FFE];
	[sflag:s5] =	ssyncadd.remote.s32 @!p0 $0x1  }
0xb4: {  	s26 =	simm.s32 $execute0_lowered;
	[smem:$0x3FD2] =	sst s25  }
0xb5: {  	s6 =	sshll.u32 s26, $0x1;
	_ =	strace $0x80000049;
	[dreg:$0x1] =	wrdreg $0xFFFFFFFF  }
0xb6: {  	s28 =	simm.s32 $_size_execute0_lowered;
	s4 =	sadd.s32 s4, s6;
	[dreg:$0x0] =	wrdreg $0x0  }
0xb7: {  	s6 =	sshll.u32 s28, $0x1;
	[dreg:$0x2] =	wrdreg s4  }
0xb8: {  	[dreg:$0x3] =	wrdreg s6  }
0xb9: {  	[dreg:$0x4] =	wrdreg $0xC0  }
0xba: {  	_ =	task [dreg:s22], $0x5FFFF  }
0xbb: {  	[dreg:$0x1] =	wrdreg $0xFFFFFFFF  }
0xbc: {  	[dreg:$0x0] =	wrdreg $0x60  }
0xbd: {  	[dreg:$0x2] =	wrdreg s24  }
0xbe: {  	[dreg:$0x3] =	wrdreg s18  }
0xbf: {  	[dreg:$0x4] =	wrdreg $0xA  }
0xc0: {  	_ =	task.clear_ibuf [dreg:s22], $0x5FFFF;
	_ =	strace $0x90000049  }
0xc1: {  	s29 =	simm.s32 $0xA;
	_ =	strace $0x8000004B  }
0xc2: {  	_ =	swait.ge [sflag:s29], $0x1  }
0xc3: {  	[sflag:s29] =	ssyncadd.s32 $0xFFFFFFFF  }
0xc4: {  	_ =	strace $0x9000004B  }
0xc5: {  	_ =	sfence  }
0xc6: {  	s30 =	sld [smem:$0x0];
	_ =	sdelay $0x2  }
0xc7: {  	s31 =	sshll.u32 s1, $0xD;
	s1 =	sshrl.u32 s1, $0x2  }
0xc8: {  	s4 =	sand.u32 $0x4000, s31;
	s1 =	sadd.s32 s1, s30  }
0xc9: {  	s0 =	sor.u32 s4, s0;
	s1 =	sshll.u32 s1, $0x11  }
0xca: {  	s0 =	sor.u32 s1, s0  }
0xcb: {  	s0 =	sadd.s32 $0x8F2B, s0  }
0xcc: {  	[sflag:s0] =	ssyncadd.remote.s32 $0x1  }
0xcd: {  	_ =	sfence.sel $0xFFFF  }
0xce: {  	[dreg:$0x0] =	wrdreg $0xFFFFFFFF;
	(pc) =	sbr.abs _section_cstart, $3  }
0xcf: {  	[dreg:$0x1] =	wrdreg $0xFFFFFFFF  }
0xd0: {  	_ =	task.clear_ibuf [dreg:s22], $0x2FFFF;
	_ =	strace $0x9FFFFFFF  }
0xd1: {  	(tm) =	ssettm $0x7FFFFFFF  }
tec
execute0_lowered:
.L_overlay_start_1:
0x0: {  	(tag) =	ssettag $0x1  }
0x1: {  	s4 =	rddreg [dreg:$0x0]  }
0x2: {  	s5 =	rddreg [dreg:$0x1]  }
0x3: {  	s0 =	rddreg [dreg:$0x2];
	s1 =	stileid.u32  }
0x4: {  	s3 =	srdreg.scid;
	s2 =	simm.s32 $0x0;
	s7 =	smul.u32 $0x1900, s1  }
0x5: {  	s6 =	sand.u32 $0x1, s3;
	[smem:$0x7FF] =	sst s2;
	s10 =	smul.u32 $0x3200, s1  }
0x6: {  	s3 =	sadd.s32 $0x9600, s4;
	s8 =	smul.u32 $0xC80, s6;
	s9 =	ssub.s32 $0x2, s6  }
0x7: {  	_ =	strace $0x8000004A;
	s6 =	smul.u32 $0x1900, s6;
	s31 =	sshrl.u32 s9, $0x1  }
0x8: {  	s5 =	sadd.s32 s10, s5;
	s10 =	simm.s32 $0x0;
	s7 =	sadd.s32 s8, s7  }
0x9: {  	s8 =	ssub.s32 s9, s31;
	s5 =	sadd.s32 s6, s5;
	s7 =	sshrl.u32 s7, $0x3  }
0xa: {  	s9 =	simm.s32 $0x1;
	s7 =	sadd.s32 s7, s4;
	s4 =	smax.u32 s8, $0x1  }
0xb: {  	s8 =	simm.s32 $0x80;
	s6 =	sadd.s32 $0x6400, s7;
	s7 =	simm.s32 $0x2  }
.LBB2_1:
0xc: {  	s11 =	sadd.s32 $0x0, s6  }
0xd: {  	[tilespmem:s2], [sflag:$0x2] =	stream.linear.gather [hbm4b:s11+s2], $0x80, $0x38;
	[tilespmem:$0x880] =	vst v63  }
0xe: {  	_ =	swait.ge [sflag:s7], $0x80  }
0xf: {  	[sflag:s7] =	ssyncset.done $0x0  }
0x10: {  	[sflag:s7] =	ssyncadd.s32 $0xFFFFFF80  }
0x11: {  	[tilespmem:s8], [sflag:$0x1] =	stream.indirect.gather [hbm4b:s3+s8], $0x10, s2, s8, $0xb8;
	[tilespmem:$0x880] =	vst v63  }
0x12: {  	_ =	swait.ge [sflag:s9], $0x800  }
0x13: {  	[sflag:s9] =	ssyncset.done $0x0  }
0x14: {  	[sflag:s9] =	ssyncadd.s32 $0xFFFFF800  }
0x15: {  	[hbm4b:s5+s2] =	stream.linear.scatter [tilespmem:s8], [sflag:$0x2], $0x800, $0x38;
	[tilespmem:$0x880] =	vst v63  }
0x16: {  	s12 =	simm.s32 $0x10;
	_ =	swait.ge [sflag:s7], $0x800  }
0x17: {  	s13 =	simm.s32 $0x20;
	s11 =	sadd.s32 $0x100, s5;
	[sflag:s7] =	ssyncset.done $0x0  }
.LBB2_2:
0x18: {  	s14 =	sadd.s32 s12, s6  }
0x19: {  	[sflag:s7] =	ssyncadd.s32 $0xFFFFF800;
	s12 =	smov.u32 s13;
	s15 =	sadd.s32 $0x10, s13  }
0x1a: {  	[tilespmem:s2], [sflag:$0x2] =	stream.linear.gather [hbm4b:s14+s2], $0x80, $0x38;
	[tilespmem:$0x880] =	vst v63  }
0x1b: {  	p0 =	sne.s32 s13, $0x180;
	_ =	swait.ge [sflag:s7], $0x80  }
0x1c: {  	[sflag:s7] =	ssyncset.done $0x0  }
0x1d: {  	[sflag:s7] =	ssyncadd.s32 $0xFFFFFF80  }
0x1e: {  	[tilespmem:s8], [sflag:$0x1] =	stream.indirect.gather [hbm4b:s3+s8], $0x10, s2, s8, $0xb8;
	[tilespmem:$0x880] =	vst v63  }
0x1f: {  	_ =	swait.ge [sflag:s9], $0x800  }
.Ltmp0:
0x20: {  	[sflag:s9] =	ssyncset.done $0x0;
	(pc) =	sbr.rel @p0 .LBB2_2-.Ltmp0, $4  }
0x21: {  	[sflag:s9] =	ssyncadd.s32 $0xFFFFF800  }
0x22: {  	[hbm4b:s11+s2] =	stream.linear.scatter [tilespmem:s8], [sflag:$0x2], $0x800, $0x38;
	[tilespmem:$0x880] =	vst v63  }
0x23: {  	_ =	swait.ge [sflag:s7], $0x800  }
0x24: {  	s13 =	smov.u32 s15;
	s11 =	sadd.s32 $0x100, s11;
	[sflag:s7] =	ssyncset.done $0x0  }
0x25: {  	s12 =	sadd.s32 s12, s6;
	[sflag:s7] =	ssyncadd.s32 $0xFFFFF800  }
0x26: {  	[tilespmem:s2], [sflag:$0x2] =	stream.linear.gather [hbm4b:s12+s2], $0x80, $0x38;
	[tilespmem:$0x880] =	vst v63  }
0x27: {  	_ =	swait.ge [sflag:s7], $0x80  }
0x28: {  	[sflag:s7] =	ssyncset.done $0x0  }
0x29: {  	[sflag:s7] =	ssyncadd.s32 $0xFFFFFF80  }
0x2a: {  	[tilespmem:s8], [sflag:$0x1] =	stream.indirect.gather [hbm4b:s3+s8], $0x10, s2, s8, $0xb8;
	[tilespmem:$0x880] =	vst v63  }
0x2b: {  	s10 =	sadd.s32 $0x1, s10;
	_ =	swait.ge [sflag:s9], $0x800  }
0x2c: {  	p0 =	sne.s32 s10, s4;
	[sflag:s9] =	ssyncset.done $0x0  }
.Ltmp1:
0x2d: {  	[sflag:s9] =	ssyncadd.s32 $0xFFFFF800;
	(pc) =	sbr.rel @p0 .LBB2_1-.Ltmp1, $4  }
0x2e: {  	[hbm4b:s11+s2] =	stream.linear.scatter [tilespmem:s8], [sflag:$0x2], $0x800, $0x38;
	[tilespmem:$0x880] =	vst v63  }
0x2f: {  	_ =	swait.ge [sflag:s7], $0x800  }
0x30: {  	[sflag:s7] =	ssyncset.done $0x0  }
0x31: {  	[sflag:s7] =	ssyncadd.s32 $0xFFFFF800  }
0x32: {  	_ =	sfence.sel $0x180000  }
0x33: {  	[bflag:$0x0] =	sbarrier.arrive $0xFFFF  }
0x34: {  	p0 =	sne.s32 s1, $0x0;
	_ =	strace $0x9000004A  }
0x35: {  	s0 =	sadd.s32 @!p0 $0x100000, s0;
	[bflag:$0x2] =	sbarrier.arrive $0xFFFF  }
0x36: {  	[sflag:s0] =	ssyncadd.tile.s32 @!p0 $0x1;
	_ =	shalt  }
.Lfunc_end2:
_tile_overlayer_lowered:
.L_overlay_start_2:
0x37: {  	(tag) =	ssettag $0x2  }
0x38: {  	s0 =	rddreg [dreg:$0x0];
	s2 =	stileid.u32  }
0x39: {  	s1 =	rddreg [dreg:$0x1];
	p0 =	sne.s32 s2, $0x0  }
0x3a: {  	s3 =	rddreg [dreg:$0x2];
	[bflag:$0x3] =	sbarrier.arrive $0xFFFF;
	s2 =	simm.s32 @!p0 $0x1C02  }
0x3b: {  	[timem:s3], [sflag:s2] =	dma.local @!p0 [hbm:s0], s1  }
0x3c: {  	s0 =	simm.s32 @!p0 $0x2  }
0x3d: {  	_ =	swait.ge @!p0 [sflag:s0], s1  }
0x3e: {  	s1 =	ssub.s32 @!p0 $0x0, s1;
	[sflag:s0] =	ssyncset.done @!p0 $0x0  }
0x3f: {  	[sflag:s0] =	ssyncadd.s32 @!p0 s1  }
0x40: {  	[bflag:$0x3] =	sbarrier.arrive $0xFFFF  }
0x41: {  	_ =	shalt  }

// kernel: kernel.8.cloned.1.call-start
scs
__scs_entry_jumppad:
0x0: {  	(pc) =	sbr.rel $0x88, $3  }
0x1: {  	(tag) =	ssettag $0x0;
	lr =	simm.s32 $0x1  }
0x2: {  	[smem:$0x3F9D] =	sst lr;
	_ =	strace $0xD0000000  }
0x3: {  	_ = 	snop  }
0x4: {  	_ = 	snop  }
0x5: {  	_ = 	snop  }
0x6: {  	_ = 	snop  }
0x7: {  	_ = 	snop  }
__scs_overlays_trampoline_lowered:
0x8: {  	[smem:$0x3FAC] =	sst s0  }
0x9: {  	[smem:$0x3FAD] =	sst s1  }
0xa: {  	[smem:$0x3FAE] =	sst s2  }
0xb: {  	[smem:$0x3FAF] =	sst s3  }
0xc: {  	[smem:$0x3FB0] =	sst s4  }
0xd: {  	[smem:$0x3FB1] =	sst s5  }
0xe: {  	[smem:$0x3FB2] =	sst s6  }
0xf: {  	[smem:$0x3FB3] =	sst s7  }
0x10: {  	[smem:$0x3FB4] =	sst s8  }
0x11: {  	[smem:$0x3FB5] =	sst s9;
	s0 =	simm.s32 @!p0 $0x0  }
0x12: {  	s1 =	sld [smem:$0x3F9B];
	s0 =	simm.s32 @p0 $0x1  }
0x13: {  	[smem:$0x3FB6] =	sst s0;
	s0 =	simm.s32 @!p1 $0x0  }
0x14: {  	s2 =	sld [smem:$0x3F9A];
	s0 =	simm.s32 @p1 $0x1  }
0x15: {  	[smem:$0x3FB7] =	sst s0;
	s0 =	simm.s32 @!p2 $0x0  }
0x16: {  	s3 =	sld [smem:$0x3FDB];
	s0 =	simm.s32 @p2 $0x1  }
0x17: {  	s4 =	simm.s32 $0x1BF5;
	[smem:$0x3FB9] =	sst s0  }
0x18: {  	s0 =	sld [smem:$0x3F9C];
	_ =	swait.ge [sflag:s4], $0x0  }
0x19: {  	s7 =	sld [smem:$0x3F9D]  }
0x1a: {  	s8 =	sadd.s32 $0xFFFFE003, lr  }
0x1b: {  	s9 =	sadd.s32 $0xFFFFFEF7, lr;
	s5 =	simm.s32 $0xFFFFFFFF;
	p2 =	slt.u32 s8, $0xFFFFF086  }
0x1c: {  	p1 =	slt.u32 s9, $0xF7A;
	s5 =	simm.s32 @!p2 $0x0  }
0x1d: {  	s5 =	simm.s32 @p1 $0x1;
	p0 =	seq.s32 s7, s2  }
0x1e: {  	s7 =	smul.u32 @!p0 $0xF7A, s2;
	p2 =	seq.s32 @!p0 s5, $0x0  }
0x1f: {  	s9 =	smul.u32 $0xF7A, s1;
	s8 =	simm.s32 @!p0 $0x1BF5;
	p2 =	por !p2, p0  }
0x20: {  	[sflag:s8] =	ssyncset.s32 @!p0 $0xFFFFF086;
	s6 =	sadd.s32 @!p0 s3, s7;
	s7 =	simm.s32 @!p0 $0x108  }
0x21: {  	s3 =	sadd.s32 s3, s9;
	s6 =	sadd.s32 @!p0 $0x88, s6;
	s7 =	simm.s32 @p2 $0x1082  }
0x22: {  	[simem:s7], [sflag:s8] =	dma.local @!p0 [hbm:s6], $0xF7A  }
0x23: {  	s9 =	sor.u32 $0xD0000000, s2;
	s6 =	simm.s32 $0x108;
	_ =	swait.ge @!p0 [sflag:s8], $0x0  }
0x24: {  	s3 =	sadd.s32 $0x88, s3;
	s6 =	simm.s32 @!p1 $0x1082;
	[sflag:s4] =	ssyncset.s32 $0xFFFFF086  }
0x25: {  	[simem:s6], [sflag:s4] =	dma.local [hbm:s3], $0xF7A  }
0x26: {  	[smem:$0x3F9D] =	sst s1;
	(tag) =	ssettag s2;
	_ =	strace s9  }
0x27: {  	s1 =	sld [smem:$0x3FAD]  }
0x28: {  	s2 =	sld [smem:$0x3FAE]  }
0x29: {  	s4 =	sld [smem:$0x3FB0]  }
0x2a: {  	p0 =	seq.s32 s5, $0x0;
	s5 =	sld [smem:$0x3FB1]  }
0x2b: {  	s6 =	sld [smem:$0x3FB2]  }
0x2c: {  	s7 =	sld [smem:$0x3FB3]  }
0x2d: {  	s3 =	simm.s32 $0x108;
	s8 =	sld [smem:$0x3FB4]  }
0x2e: {  	s3 =	simm.s32 @!p0 $0x1082;
	s9 =	sld [smem:$0x3FB5]  }
0x2f: {  	lr =	sadd.s32 s0, s3;
	s0 =	sld [smem:$0x3FAC]  }
0x30: {  	s3 =	sld [smem:$0x3FAF]  }
0x31: {  	[smem:$0x3FB8] =	sst s10  }
0x32: {  	s10 =	sld [smem:$0x3FB6];
	_ =	sdelay $0x3  }
0x33: {  	p0 =	seq.s32 s10, $0x1;
	s10 =	sld [smem:$0x3FB8];
	_ =	sdelay $0x3  }
0x34: {  	[smem:$0x3FB8] =	sst s10  }
0x35: {  	s10 =	sld [smem:$0x3FB7];
	_ =	sdelay $0x3  }
0x36: {  	p1 =	seq.s32 s10, $0x1;
	s10 =	sld [smem:$0x3FB8];
	_ =	sdelay $0x3  }
0x37: {  	[smem:$0x3FB8] =	sst s10  }
0x38: {  	s10 =	sld [smem:$0x3FB9]  }
0x39: {  	_ = 	snop;
	(pc) =	sbr.ind lr, $3  }
0x3a: {  	_ = 	snop  }
0x3b: {  	_ = 	snop  }
0x3c: {  	p2 =	seq.s32 s10, $0x1;
	s10 =	sld [smem:$0x3FB8]  }
0x3d: {  	_ =	shalt  }
0x3e: {  	_ =	shalt  }
0x3f: {  	_ =	shalt  }
0x40: {  	_ =	shalt  }
0x41: {  	_ =	shalt  }
0x42: {  	_ =	shalt  }
0x43: {  	_ =	shalt  }
0x44: {  	_ =	shalt  }
0x45: {  	_ =	shalt  }
0x46: {  	_ =	shalt  }
0x47: {  	_ =	shalt  }
0x48: {  	_ =	shalt  }
0x49: {  	_ =	shalt  }
0x4a: {  	_ =	shalt  }
0x4b: {  	_ =	shalt  }
0x4c: {  	_ =	shalt  }
0x4d: {  	_ =	shalt  }
0x4e: {  	_ =	shalt  }
0x4f: {  	_ =	shalt  }
0x50: {  	_ =	shalt  }
0x51: {  	_ =	shalt  }
0x52: {  	_ =	shalt  }
0x53: {  	_ =	shalt  }
0x54: {  	_ =	shalt  }
0x55: {  	_ =	shalt  }
0x56: {  	_ =	shalt  }
0x57: {  	_ =	shalt  }
0x58: {  	_ =	shalt  }
0x59: {  	_ =	shalt  }
0x5a: {  	_ =	shalt  }
0x5b: {  	_ =	shalt  }
0x5c: {  	_ =	shalt  }
0x5d: {  	_ =	shalt  }
0x5e: {  	_ =	shalt  }
0x5f: {  	_ =	shalt  }
0x60: {  	_ =	shalt  }
0x61: {  	_ =	shalt  }
0x62: {  	_ =	shalt  }
0x63: {  	_ =	shalt  }
0x64: {  	_ =	shalt  }
0x65: {  	_ =	shalt  }
0x66: {  	_ =	shalt  }
0x67: {  	_ =	shalt  }
0x68: {  	_ =	shalt  }
0x69: {  	_ =	shalt  }
0x6a: {  	_ =	shalt  }
0x6b: {  	_ =	shalt  }
0x6c: {  	_ =	shalt  }
0x6d: {  	_ =	shalt  }
0x6e: {  	_ =	shalt  }
0x6f: {  	_ =	shalt  }
0x70: {  	_ =	shalt  }
0x71: {  	_ =	shalt  }
0x72: {  	_ =	shalt  }
0x73: {  	_ =	shalt  }
0x74: {  	_ =	shalt  }
0x75: {  	_ =	shalt  }
0x76: {  	_ =	shalt  }
0x77: {  	_ =	shalt  }
0x78: {  	_ =	shalt  }
0x79: {  	_ =	shalt  }
0x7a: {  	_ =	shalt  }
0x7b: {  	_ =	shalt  }
0x7c: {  	_ =	shalt  }
0x7d: {  	_ =	shalt  }
0x7e: {  	_ =	shalt  }
0x7f: {  	_ =	shalt  }
0x80: {  	_ =	shalt  }
0x81: {  	_ =	shalt  }
0x82: {  	_ =	shalt  }
0x83: {  	_ =	shalt  }
0x84: {  	_ =	shalt  }
0x85: {  	_ =	shalt  }
0x86: {  	_ =	shalt  }
0x87: {  	_ =	shalt  }
.Lfunc_end0:
.L_simem_size_0:
called_computation.2_lowered:
.L_overlay_start_0:
0x88: {  	s2 =	sld [smem:$0x3FD9]  }
0x89: {  	s3 =	sld [smem:$0x3FFE];
	_ =	sdelay $0x1  }
0x8a: {  	s1 =	srdreg.scid  }
0x8b: {  	s0 =	sand.u32 $0x1, s1  }
0x8c: {  	s17 =	sshll.u32 s0, $0xA;
	s2 =	sadd.s32 s3, s2  }
0x8d: {  	s2 =	sadd.s32 s2, s17  }
0x8e: {  	[smem:$0x3FC4] =	sst s2  }
0x8f: {  	_ = 	snop  }
0x90: {  	s2 =	sld [smem:$0x3FD0];
	(tm) =	ssettm $0x1  }
0x91: {  	s18 =	sld [smem:$0x3FFB];
	_ =	sdelay $0x3  }
0x92: {  	_ =	strace s18  }
0x93: {  	s3 =	sld [smem:$0x3FFC];
	_ =	sdelay $0x3  }
0x94: {  	_ =	strace s3  }
0x95: {  	s3 =	sld [smem:$0x3FFD];
	_ =	sdelay $0x3  }
0x96: {  	_ =	strace s3  }
0x97: {  	_ =	strace $0x8FFFFFFF  }
0x98: {  	s19 =	sld [smem:$0x3FDB];
	_ =	sdelay $0x1  }
0x99: {  	s4 =	simm.s32 $_scs_section_size  }
0x9a: {  	s5 =	simm.s32 $_size__tile_overlayer_lowered;
	s6 =	simm.s32 $_tile_overlayer_lowered  }
0x9b: {  	s22 =	simm.s32 $0x1BFF;
	s21 =	sshll.u32 s6, $0x1;
	s3 =	sadd.s32 s4, s19  }
0x9c: {  	s7 =	simm.s32 $0x0;
	s20 =	sshll.u32 s5, $0x1;
	s5 =	sadd.s32 s21, s3  }
0x9d: {  	[timem:s7], [sflag:s22] =	dma.local [hbm:s5], s20  }
0x9e: {  	_ =	swait.ge [sflag:s22], s20  }
0x9f: {  	s4 =	ssub.s32 $0x0, s20;
	[sflag:s22] =	ssyncset.done $0x0  }
0xa0: {  	[sflag:s22] =	ssyncadd.s32 s4;
	_ =	sdelay $0x1  }
0xa1: {  	s23 =	simm.s32 $0x1B8B  }
0xa2: {  	_ =	swait.ge [sflag:s23], $0x1  }
0xa3: {  	[sflag:s23] =	ssyncset.done $0x0  }
0xa4: {  	s25 =	simm.s32 $0x1B8E;
	s24 =	sld [smem:$0x3FFE];
	[sflag:s23] =	ssyncadd.s32 $0xFFFFFFFF  }
0xa5: {  	s26 =	simm.s32 $execute0_lowered;
	[smem:$0x3FD2] =	sst s25  }
0xa6: {  	s5 =	sshll.u32 s26, $0x1;
	_ =	strace $0x8000004C;
	[dreg:$0x1] =	wrdreg $0xFFFFFFFF  }
0xa7: {  	s28 =	simm.s32 $_size_execute0_lowered;
	s3 =	sadd.s32 s3, s5;
	[dreg:$0x0] =	wrdreg $0x0  }
0xa8: {  	s5 =	sshll.u32 s28, $0x1;
	[dreg:$0x2] =	wrdreg s3  }
0xa9: {  	[dreg:$0x3] =	wrdreg s5  }
0xaa: {  	[dreg:$0x4] =	wrdreg $0xC0  }
0xab: {  	_ =	task [dreg:s7], $0x5FFFF  }
0xac: {  	[dreg:$0x1] =	wrdreg $0xFFFFFFFF  }
0xad: {  	[dreg:$0x0] =	wrdreg $0x60  }
0xae: {  	[dreg:$0x2] =	wrdreg s24  }
0xaf: {  	[dreg:$0x3] =	wrdreg s2  }
0xb0: {  	[dreg:$0x4] =	wrdreg $0x9  }
0xb1: {  	_ =	task.clear_ibuf [dreg:s7], $0x5FFFF;
	_ =	strace $0x9000004C  }
0xb2: {  	s29 =	simm.s32 $0x9;
	_ =	strace $0x8000004E  }
0xb3: {  	_ =	swait.ge [sflag:s29], $0x1  }
0xb4: {  	[sflag:s29] =	ssyncadd.s32 $0xFFFFFFFF  }
0xb5: {  	_ =	strace $0x9000004E  }
0xb6: {  	_ =	sfence  }
0xb7: {  	s30 =	sld [smem:$0x0];
	_ =	sdelay $0x2  }
0xb8: {  	s31 =	sshll.u32 s1, $0xD;
	s1 =	sshrl.u32 s1, $0x2  }
0xb9: {  	s3 =	sand.u32 $0x4000, s31;
	s1 =	sadd.s32 s1, s30  }
0xba: {  	s0 =	sor.u32 s3, s0;
	s1 =	sshll.u32 s1, $0x11  }
0xbb: {  	s0 =	sor.u32 s1, s0  }
0xbc: {  	s0 =	sadd.s32 $0x8F2B, s0  }
0xbd: {  	[sflag:s0] =	ssyncadd.remote.s32 $0x1  }
0xbe: {  	_ =	sfence.sel $0xFFFF  }
0xbf: {  	[dreg:$0x0] =	wrdreg $0xFFFFFFFF;
	(pc) =	sbr.abs _section_cstart, $3  }
0xc0: {  	[dreg:$0x1] =	wrdreg $0xFFFFFFFF  }
0xc1: {  	_ =	task.clear_ibuf [dreg:s7], $0x2FFFF;
	_ =	strace $0x9FFFFFFF  }
0xc2: {  	(tm) =	ssettm $0x7FFFFFFF  }
0xc3: {  	_ =	shalt  }
tec
execute0_lowered:
.L_overlay_start_1:
0x0: {  	(tag) =	ssettag $0x1  }
0x1: {  	s1 =	rddreg [dreg:$0x0]  }
0x2: {  	s2 =	rddreg [dreg:$0x1]  }
0x3: {  	s0 =	rddreg [dreg:$0x2];
	s4 =	simm.s32 $0x0  }
0x4: {  	s5 =	srdreg.scid;
	s3 =	stileid.u32;
	s11 =	simm.s32 $0x19900  }
0x5: {  	s12 =	simm.s32 $0x19000;
	s13 =	simm.s32 $0x2;
	s14 =	simm.s32 $0x80  }
0x6: {  	s15 =	simm.s32 $0x19080;
	s16 =	simm.s32 $0x19100;
	s17 =	simm.s32 $0x0  }
.Ltmp0:
0x7: {  	[smem:$0x7FF] =	sst s4;
	s7 =	sand.u32 $0x1, s5;
	(pc) =	sbr.rel .LBB2_1-.Ltmp0, $4  }
0x8: {  	s5 =	sadd.s32 $0x3D800, s1;
	s9 =	sshll.u32 s3, $0x1;
	s8 =	ssub.s32 $0x2, s7  }
0x9: {  	s6 =	sadd.s32 $0x3D600, s1;
	_ =	strace $0x8000004D;
	s10 =	sshrl.u32 s8, $0x1  }
0xa: {  	s9 =	sor.u32 s7, s9;
	s7 =	sadd.s32 $0x40A00, s1;
	s10 =	ssub.s32 s8, s10  }
0xb: {  	v0 =	vimm.f32 $0.0e+00;
	s8 =	smul.u32 $0xC80, s9;
	s9 =	smax.u32 s10, $0x1;
	s10 =	simm.s32 $0x3  }
.LBB2_17:
0xc: {  	[sflag:s13] =	ssyncadd.s32 $0xFFFFF800  }
.LBB2_18:
0xd: {  	s17 =	sadd.s32 $0x1, s17  }
0xe: {  	p0 =	sne.s32 s17, s9  }
.Ltmp1:
0xf: {  	_ = 	snop;
	(pc) =	sbr.rel @!p0 .LBB2_19-.Ltmp1, $1  }
0x10: {  	_ =	sdelay $0x3  }
.LBB2_1:
0x11: {  	[tilespmem:s4], [sflag:$0x3] =	stream.linear.gather [hbm4b:s1+s4], $0x19000, $0x38;
	[tilespmem:$0x1A100] =	vst v63  }
0x12: {  	_ =	swait.ge [sflag:s10], $0x19000  }
0x13: {  	[sflag:s10] =	ssyncset.done $0x0  }
.Ltmp2:
0x14: {  	[sflag:s10] =	ssyncadd.s32 $0xFFFE7000;
	(pc) =	sbr.rel .LBB2_2-.Ltmp2, $4  }
0x15: {  	[tilespmem:s11], [sflag:$0x3] =	stream.linear.gather [hbm4b:s6+s4], $0x800, $0x38;
	[tilespmem:$0x1A100] =	vst v63  }
0x16: {  	_ =	swait.ge [sflag:s10], $0x800  }
0x17: {  	[sflag:s10] =	ssyncset.done $0x0  }
0x18: {  	s20 =	simm.s32 $0x0;
	s18 =	simm.s32 $0x0;
	[sflag:s10] =	ssyncadd.s32 $0xFFFFF800  }
.LBB2_13:
0x19: {  	s18 =	sadd.s32 $0x1, s18  }
0x1a: {  	p0 =	seq.s32 s18, $0x19  }
.Ltmp3:
0x1b: {  	_ = 	snop;
	(pc) =	sbr.rel @p0 .LBB2_14-.Ltmp3, $1  }
0x1c: {  	_ =	sdelay $0x3  }
.LBB2_2:
0x1d: {  	s19 =	sshll.u32 s18, $0x7  }
0x1e: {  	s21 =	sadd.s32 s8, s19  }
0x1f: {  	s19 =	sshrl.u32 s21, $0x3  }
.Ltmp4:
0x20: {  	s22 =	sadd.s32 s5, s19;
	s19 =	simm.s32 $0x0;
	(pc) =	sbr.rel .LBB2_3-.Ltmp4, $4  }
0x21: {  	[tilespmem:s12], [sflag:$0x3] =	stream.linear.gather [hbm4b:s22+s19], $0x80, $0x38;
	[tilespmem:$0x1A100] =	vst v63  }
0x22: {  	_ =	swait.ge [sflag:s10], $0x80  }
0x23: {  	[sflag:s10] =	ssyncset.done $0x0  }
0x24: {  	s21 =	sshll.u32 s21, $0x5;
	[sflag:s10] =	ssyncadd.s32 $0xFFFFFF80  }
.LBB2_11:
0x25: {  	s22 =	smul.u32 $0x320000, s19;
	_ =	sdelay $0x1  }
0x26: {  	s22 =	sadd.s32 s21, s22  }
0x27: {  	s22 =	sshrl.u32 s22, $0x4  }
0x28: {  	s20 =	sadd.s32 $0x1, s20;
	s22 =	sadd.s32 s7, s22  }
0x29: {  	[hbm4b:s22+s4] =	stream.linear.scatter [tilespmem:s11], [sflag:$0x2], $0x800, $0x38;
	[tilespmem:$0x1A100] =	vst v63  }
.LBB2_12:
0x2a: {  	s19 =	sadd.s32 $0x1, s19  }
0x2b: {  	p0 =	sne.s32 s19, $0x1B  }
.Ltmp5:
0x2c: {  	_ = 	snop;
	(pc) =	sbr.rel @!p0 .LBB2_13-.Ltmp5, $1  }
0x2d: {  	_ =	sdelay $0x3  }
.LBB2_3:
0x2e: {  	s22 =	smul.u32 $0xAB, s19;
	_ =	sdelay $0x1  }
0x2f: {  	s22 =	sshrl.u32 s22, $0x9  }
0x30: {  	s22 =	sand.u32 $0x7F, s22  }
0x31: {  	s23 =	smul.u32 $0x56, s22  }
0x32: {  	v1 =	vld [tilespmem:$0x19000]  }
0x33: {  	v2 =	vld [tilespmem:$0x19010];
	v5 =	vimm.s32 $0x0;
	v9 =	vimm.s32 $0x19000;
	s24 =	smul.u32 $0x3, s22;
	s23 =	sshrl.u32 s23, $0x8  }
0x34: {  	v3 =	vld [tilespmem:$0x19020];
	v4 =	vadd.s32 v5, v9;
	s23 =	smul.u32 $0x3, s23  }
0x35: {  	s25 =	smul.u32 $0x39, s19;
	v6 =	vld [tilespmem:$0x19030];
	v15 =	vshra.s32 v4, $0x1;
	s24 =	ssub.s32 s19, s24  }
0x36: {  	v10 =	vld [tilespmem:$0x19050];
	s30 =	sand.u32 $0xFF, s24;
	s22 =	ssub.s32 s22, s23  }
0x37: {  	v11 =	vld [tilespmem:$0x19060];
	s31 =	sshrl.u32 s25, $0x9;
	s23 =	smul.u32 $0x4204, s30;
	s22 =	sand.u32 $0xFF, s22  }
0x38: {  	v4 =	vld [tilespmem:$0x19040];
	s24 =	sand.u32 $0x7F, s31;
	s22 =	smul.u32 $0x82, s22  }
0x39: {  	v14 =	vld [tilespmem:$0x19070];
	v24 =	vimm.s32 $0x19000;
	s23 =	sadd.s32 s23, s24  }
0x3a: {  	v25 =	vimm.s32 $0x19000;
	v22 =	vimm.s32 $0x0;
	v29 =	vimm.s32 $0x19000;
	v16 =	vld.idx.msk [tilespmem:v15+s4+$0x0], $0xffff;
	s22 =	sadd.s32 s22, s23  }
0x3b: {  	v30 =	vimm.s32 $0x19000;
	v20 =	vimm.s32 $0x0;
	v32 =	vimm.s32 $0x19000;
	v17 =	vld.idx.msk [tilespmem:v15+s4+$0x0], $0xffff;
	s22 =	sadd.s32 $0xFFFFBD79, s22  }
0x3c: {  	v33 =	vadd.s32 $0x1, v15;
	v13 =	vadd.s32 s22, v1;
	v12 =	vadd.s32 s22, v2  }
0x3d: {  	v18 =	vld.idx.msk [tilespmem:v15+s4+$0x0], $0xffff;
	v8 =	vadd.s32 s22, v3;
	v7 =	vadd.s32 s22, v6;
	v6 =	vadd.s32 s22, v4  }
0x3e: {  	v31 =	vmovc v15;
	v3 =	vadd.s32 s22, v10;
	v2 =	vadd.s32 s22, v11;
	v1 =	vadd.s32 s22, v14  }
0x3f: {  	v27 =	vld.idx.msk [tilespmem:v15+s4+$0x0], $0xffff;
	v4 =	vadd.s32 $0x1, v15;
	v14 =	vadd.s32 $0x1, v15;
	v11 =	vimm.s32 $0x0  }
0x40: {  	v34 =	vmovc v15;
	v35 =	vld.idx.msk [tilespmem:v15+s4+$0x0], $0xffff;
	v10 =	vimm.s32 $0x0;
	vm0 =	vlt.s32 v16, v13;
	vm1 =	vlt.s32 v17, v1  }
0x41: {  	v26 =	vmovc v15;
	v28 =	vld.idx.msk [tilespmem:v15+s4+$0x0], $0xffff;
	v17 =	vmovc v15;
	v16 =	vimm.s32 $0x0;
	v19 =	vsel vm0, v4, v5;
	v21 =	vsel vm0, v9, v15  }
0x42: {  	s22 =	simm.s32 $0x10;
	vm0 =	vlt.s32 v18, v8;
	v4 =	vsel vm1, v4, v5;
	v23 =	vsel vm1, v9, v15;
	v18 =	vmovc v15  }
.LBB2_4:
0x43: {  	p0 =	sne.s32 s22, $0x1;
	s22 =	sadd.s32 $0xFFFFFFFF, s22;
	v36 =	vadd.s32 $0x1, v15;
	v5 =	vsel vm0, v33, v5;
	v33 =	vld.idx.msk [tilespmem:v31+s4+$0x0], $0xffff;
	v37 =	vadd.s32 $0x1, v18  }
0x44: {  	v38 =	vadd.s32 v19, v21;
	v9 =	vsel vm0, v9, v34;
	v39 =	vadd.s32 $0x1, v26  }
0x45: {  	v34 =	vadd.s32 v4, v23;
	v38 =	vshra.s32 v38, $0x1;
	vm0 =	vlt.s32 v27, v3;
	v40 =	vld.idx.msk [tilespmem:v26+s4+$0x0], $0xffff  }
0x46: {  	v27 =	vadd.s32 v5, v9;
	v41 =	vshra.s32 v34, $0x1;
	vm1 =	vlt.s32 v35, v12  }
0x47: {  	v34 =	vshra.s32 v27, $0x1;
	v24 =	vsel vm0, v24, v18;
	v27 =	vadd.s32 $0x1, v17  }
0x48: {  	v11 =	vsel vm0, v37, v11;
	v25 =	vsel vm1, v25, v15;
	vm0 =	vlt.s32 v28, v2  }
0x49: {  	v15 =	vadd.s32 v11, v24;
	v22 =	vsel vm1, v36, v22;
	v29 =	vsel vm0, v29, v17  }
0x4a: {  	v18 =	vshra.s32 v15, $0x1;
	v17 =	vadd.s32 v22, v25;
	vm1 =	vlt.s32 v33, v6;
	v28 =	vld.idx.msk [tilespmem:v38+s4+$0x0], $0xffff  }
0x4b: {  	v10 =	vsel vm0, v27, v10;
	v15 =	vshra.s32 v17, $0x1;
	v30 =	vsel vm1, v30, v31;
	v36 =	vld.idx.msk [tilespmem:v41+s4+$0x0], $0xffff  }
0x4c: {  	v17 =	vadd.s32 v10, v29;
	v16 =	vsel vm1, v14, v16;
	vm0 =	vlt.s32 v40, v7;
	v37 =	vld.idx.msk [tilespmem:v34+s4+$0x0], $0xffff  }
0x4d: {  	v14 =	vadd.s32 v16, v30;
	v17 =	vshra.s32 v17, $0x1;
	v20 =	vsel vm0, v39, v20  }
.Ltmp6:
0x4e: {  	v33 =	vadd.s32 $0x1, v34;
	v31 =	vshra.s32 v14, $0x1;
	v32 =	vsel vm0, v32, v26;
	(pc) =	sbr.rel @p0 .LBB2_4-.Ltmp6, $4  }
0x4f: {  	v39 =	vadd.s32 $0x1, v41;
	v26 =	vadd.s32 v20, v32;
	v14 =	vadd.s32 $0x1, v31;
	v27 =	vld.idx.msk [tilespmem:v18+s4+$0x0], $0xffff  }
0x50: {  	v26 =	vshra.s32 v26, $0x1;
	vm0 =	vlt.s32 v28, v13;
	v28 =	vadd.s32 $0x1, v38;
	v35 =	vld.idx.msk [tilespmem:v15+s4+$0x0], $0xffff  }
0x51: {  	v19 =	vsel vm0, v28, v19;
	v21 =	vsel vm0, v21, v38;
	vm1 =	vlt.s32 v36, v1  }
0x52: {  	vm0 =	vlt.s32 v37, v8;
	v4 =	vsel vm1, v39, v4;
	v23 =	vsel vm1, v23, v41;
	v28 =	vld.idx.msk [tilespmem:v17+s4+$0x0], $0xffff  }
0x53: {  	vm1 =	vlt.s32 v19, $0x1869F  }
0x54: {  	v9 =	vnsel vm1, $0x1869F, v19;
	_ =	sdelay $0x4  }
0x55: {  	v15 =	vadd.s32 $0x1, v15;
	vm14 =	vlt.s32 v35, v12;
	v19 =	vld.idx.msk [tilespmem:v9+s4+$0x0], $0xffff  }
0x56: {  	v15 =	vsel vm14, v15, v22  }
0x57: {  	vm1 =	vlt.s32 v15, $0x1869F  }
0x58: {  	v15 =	vnsel vm1, $0x1869F, v15;
	_ =	sdelay $0x1  }
0x59: {  	vm15 =	veq.s32 v19, v13  }
0x5a: {  	v21 =	vld.idx.msk [tilespmem:v31+s4+$0x0], $0xffff;
	v9 =	vnsel vm15, $0x186A0, v9  }
0x5b: {  	v56 =	vld.idx.msk [tilespmem:v26+s4+$0x0], $0xffff;
	[tilespmem:$0x19080] =	vst v9  }
0x5c: {  	v9 =	vld.idx.msk [tilespmem:v15+s4+$0x0], $0xffff  }
0x5d: {  	v5 =	vsel vm0, v33, v5  }
0x5e: {  	vm0 =	vlt.s32 v5, $0x1869F  }
0x5f: {  	v5 =	vnsel vm0, $0x1869F, v5;
	_ =	sdelay $0x1  }
0x60: {  	vm9 =	veq.s32 v9, v12  }
0x61: {  	v9 =	vnsel vm9, $0x186A0, v15  }
0x62: {  	[tilespmem:$0x19090] =	vst v9  }
0x63: {  	v57 =	vadd.s32 $0x1, v26;
	vm2 =	vlt.s32 v56, v7;
	v58 =	vld.idx.msk [tilespmem:v5+s4+$0x0], $0xffff  }
0x64: {  	v9 =	vsel vm2, v57, v20  }
0x65: {  	vm2 =	vlt.s32 v9, $0x1869F  }
0x66: {  	v9 =	vnsel vm2, $0x1869F, v9;
	_ =	sdelay $0x1  }
0x67: {  	vm10 =	veq.s32 v58, v8  }
0x68: {  	v5 =	vnsel vm10, $0x186A0, v5  }
0x69: {  	[tilespmem:$0x190A0] =	vst v5  }
0x6a: {  	vm3 =	vlt.s32 v21, v6;
	v5 =	vld.idx.msk [tilespmem:v9+s4+$0x0], $0xffff  }
0x6b: {  	v59 =	vsel vm3, v14, v16  }
0x6c: {  	vm3 =	vlt.s32 v59, $0x1869F  }
0x6d: {  	v8 =	vnsel vm3, $0x1869F, v59;
	_ =	sdelay $0x1  }
0x6e: {  	vm11 =	veq.s32 v5, v7  }
0x6f: {  	v5 =	vnsel vm11, $0x186A0, v9  }
0x70: {  	[tilespmem:$0x190B0] =	vst v5  }
0x71: {  	v60 =	vadd.s32 $0x1, v18;
	vm4 =	vlt.s32 v27, v3;
	v61 =	vld.idx.msk [tilespmem:v8+s4+$0x0], $0xffff  }
0x72: {  	v5 =	vsel vm4, v60, v11  }
0x73: {  	vm4 =	vlt.s32 v5, $0x1869F  }
0x74: {  	v5 =	vnsel vm4, $0x1869F, v5;
	_ =	sdelay $0x1  }
0x75: {  	vm12 =	veq.s32 v61, v6  }
0x76: {  	v6 =	vnsel vm12, $0x186A0, v8  }
0x77: {  	[tilespmem:$0x190C0] =	vst v6  }
0x78: {  	v62 =	vadd.s32 $0x1, v17;
	vm5 =	vlt.s32 v28, v2;
	v63 =	vld.idx.msk [tilespmem:v5+s4+$0x0], $0xffff  }
0x79: {  	v6 =	vsel vm5, v62, v10  }
0x7a: {  	vm5 =	vlt.s32 v6, $0x1869F  }
0x7b: {  	v6 =	vnsel vm5, $0x1869F, v6;
	_ =	sdelay $0x1  }
0x7c: {  	vm13 =	veq.s32 v63, v3  }
0x7d: {  	v3 =	vnsel vm13, $0x186A0, v5  }
0x7e: {  	[tilespmem:$0x190D0] =	vst v3  }
0x7f: {  	v3 =	vld.idx.msk [tilespmem:v6+s4+$0x0], $0xffff;
	_ =	sdelay $0x1  }
0x80: {  	vm6 =	vlt.s32 v4, $0x1869F  }
0x81: {  	v4 =	vnsel vm6, $0x1869F, v4;
	_ =	sdelay $0x1  }
0x82: {  	vm14 =	veq.s32 v3, v2  }
0x83: {  	v2 =	vnsel vm14, $0x186A0, v6  }
0x84: {  	[tilespmem:$0x190E0] =	vst v2  }
0x85: {  	vm0 =	vmor vm15, vm9;
	v2 =	vld.idx.msk [tilespmem:v4+s4+$0x0], $0xffff  }
0x86: {  	vm0 =	vmor vm0, vm10  }
0x87: {  	vm0 =	vmor vm0, vm11  }
0x88: {  	vm0 =	vmor vm0, vm12  }
0x89: {  	vm0 =	vmor vm0, vm13  }
0x8a: {  	vm0 =	vmor vm0, vm14;
	vm15 =	veq.s32 v2, v1  }
0x8b: {  	vm0 =	vmor vm0, vm15  }
0x8c: {  	v1 =	vsel vm0, $0x3F800000, v0  }
0x8d: {  	(xrf0) =	vmax.scan.msk.f32 $0xffff, v1;
	_ =	sdelay $0x5  }
0x8e: {  	v1, _, _ =	vpop (xrf0)  }
0x8f: {  	(v2sf) =	vpush v1, $0xF;
	_ =	sdelay $0xe  }
0x90: {  	s22 =	spop (v2sf)  }
0x91: {  	p0 =	sgt.f32 s22, $0.0e+00  }
.Ltmp7:
0x92: {  	_ = 	snop;
	(pc) =	sbr.rel @!p0 .LBB2_11-.Ltmp7, $3  }
0x93: {  	_ =	sdelay $0x1  }
0x94: {  	v1 =	vnsel vm15, $0x186A0, v4  }
0x95: {  	[tilespmem:$0x190F0] =	vst v1  }
0x96: {  	p0 =	slt.s32 s20, $0x1  }
.Ltmp8:
0x97: {  	_ = 	snop;
	(pc) =	sbr.rel @p0 .LBB2_10-.Ltmp8, $1  }
0x98: {  	_ =	sdelay $0x3  }
0x99: {  	p0 =	sne.s32 s20, $0x1  }
.Ltmp9:
0x9a: {  	_ = 	snop;
	(pc) =	sbr.rel @!p0 .LBB2_9-.Ltmp9, $3  }
0x9b: {  	_ =	sdelay $0x1  }
0x9c: {  	_ =	swait.ge [sflag:s13], $0x800  }
0x9d: {  	s20 =	sadd.s32 $0xFFFFFFFF, s20;
	[sflag:s13] =	ssyncset.done $0x0  }
.LBB2_8:
0x9e: {  	p0 =	sne.s32 s20, $0x1;
	s20 =	sadd.s32 $0xFFFFFFFF, s20;
	[sflag:s13] =	ssyncadd.s32 $0xFFFFF800  }
.Ltmp10:
0x9f: {  	(pc) =	sbr.rel @p0 .LBB2_8-.Ltmp10, $3  }
0xa0: {  	_ =	sdelay $0x1  }
0xa1: {  	_ =	swait.ge [sflag:s13], $0x800  }
0xa2: {  	[sflag:s13] =	ssyncset.done $0x0  }
.LBB2_9:
0xa3: {  	[sflag:s13] =	ssyncadd.s32 $0xFFFFF800  }
.LBB2_10:
0xa4: {  	[tilespmem:s16], [sflag:$0x1] =	stream.indirect.gather [hbm4b:s2+s14], $0x10, s15, s14, $0xb8;
	[tilespmem:$0x1A100] =	vst v63  }
0xa5: {  	s22 =	smul.u32 $0x320000, s19  }
.Ltmp11:
0xa6: {  	s20 =	simm.s32 $0x1;
	(pc) =	sbr.rel .LBB2_12-.Ltmp11, $4  }
0xa7: {  	_ =	swait.ge [sflag:s20], $0x800;
	s22 =	sadd.s32 s21, s22  }
0xa8: {  	[sflag:s20] =	ssyncset.done $0x0;
	s22 =	sshrl.u32 s22, $0x4  }
0xa9: {  	[sflag:s20] =	ssyncadd.s32 $0xFFFFF800;
	s22 =	sadd.s32 s7, s22  }
0xaa: {  	[hbm4b:s22+s4] =	stream.linear.scatter [tilespmem:s16], [sflag:$0x2], $0x800, $0x38;
	[tilespmem:$0x1A100] =	vst v63  }
.LBB2_14:
0xab: {  	p0 =	sgt.s32 s20, $0x0  }
.Ltmp12:
0xac: {  	_ = 	snop;
	(pc) =	sbr.rel @!p0 .LBB2_18-.Ltmp12, $1  }
0xad: {  	_ =	sdelay $0x3  }
0xae: {  	p0 =	sne.s32 s20, $0x1  }
.Ltmp13:
0xaf: {  	_ = 	snop;
	(pc) =	sbr.rel @!p0 .LBB2_17-.Ltmp13, $3  }
0xb0: {  	_ =	sdelay $0x1  }
0xb1: {  	_ =	swait.ge [sflag:s13], $0x800  }
0xb2: {  	s18 =	sadd.s32 $0xFFFFFFFF, s20;
	[sflag:s13] =	ssyncset.done $0x0  }
.LBB2_16:
0xb3: {  	p0 =	sne.s32 s18, $0x1;
	s18 =	sadd.s32 $0xFFFFFFFF, s18;
	[sflag:s13] =	ssyncadd.s32 $0xFFFFF800  }
.Ltmp14:
0xb4: {  	(pc) =	sbr.rel @p0 .LBB2_16-.Ltmp14, $3  }
0xb5: {  	_ =	sdelay $0x1  }
0xb6: {  	_ =	swait.ge [sflag:s13], $0x800  }
0xb7: {  	[sflag:s13] =	ssyncset.done $0x0  }
.Ltmp15:
0xb8: {  	_ = 	snop;
	(pc) =	sbr.rel .LBB2_17-.Ltmp15, $1  }
0xb9: {  	_ =	sdelay $0x3  }
.LBB2_19:
0xba: {  	_ =	sfence.sel $0x180000  }
0xbb: {  	[bflag:$0x0] =	sbarrier.arrive $0xFFFF  }
0xbc: {  	p0 =	sne.s32 s3, $0x0;
	_ =	strace $0x9000004D  }
0xbd: {  	s0 =	sadd.s32 @!p0 $0x100000, s0;
	[bflag:$0x2] =	sbarrier.arrive $0xFFFF  }
0xbe: {  	[sflag:s0] =	ssyncadd.tile.s32 @!p0 $0x1;
	_ =	shalt  }
.Lfunc_end2:
_tile_overlayer_lowered:
.L_overlay_start_2:
0xbf: {  	(tag) =	ssettag $0x2  }
0xc0: {  	s0 =	rddreg [dreg:$0x0];
	s2 =	stileid.u32  }
0xc1: {  	s1 =	rddreg [dreg:$0x1];
	p0 =	sne.s32 s2, $0x0  }
0xc2: {  	s3 =	rddreg [dreg:$0x2];
	[bflag:$0x3] =	sbarrier.arrive $0xFFFF;
	s2 =	simm.s32 @!p0 $0x1C03  }
0xc3: {  	[timem:s3], [sflag:s2] =	dma.local @!p0 [hbm:s0], s1  }
0xc4: {  	s0 =	simm.s32 @!p0 $0x3  }
0xc5: {  	_ =	swait.ge @!p0 [sflag:s0], s1  }
0xc6: {  	s1 =	ssub.s32 @!p0 $0x0, s1;
	[sflag:s0] =	ssyncset.done @!p0 $0x0  }
0xc7: {  	[sflag:s0] =	ssyncadd.s32 @!p0 s1  }
0xc8: {  	[bflag:$0x3] =	sbarrier.arrive $0xFFFF  }
0xc9: {  	_ =	shalt  }

</sc_bundles>
